<compile_context>
chip_gen: v7x
topology: tpu7x:2x2x1
jax: 0.10.2.dev20260603
libtpu: 0.0.44.dev20260713+nightly
codegen_flags: <defaults>
</compile_context>

<pallas_src>
import functools

import jax
import jax.numpy as jnp
from jax import lax
from jax.experimental import pallas as pl
from jax.experimental.pallas import tpu as pltpu
from jax.experimental.pallas import tpu_sc as plsc

NUM_GROUP_K = 512
GROUP_SIZE_K = 32
ROW_PAD = 16
GBLK = 256



def _fps_body(x_ref, y_ref, z_ref, cx_ref, cy_ref, cz_ref, dist_ref):
    B, N = x_ref.shape
    G = cx_ref.shape[1]
    x = x_ref[...]
    y = y_ref[...]
    z = z_ref[...]
    flane = lax.broadcasted_iota(jnp.int32, (B, N), 1).astype(jnp.float32)
    gcol = lax.broadcasted_iota(jnp.int32, (B, G), 1)
    bigf = jnp.float32(2.0 * N)

    dist_ref[...] = jnp.full((B, N), jnp.inf, dtype=jnp.float32)
    lx0 = x[:, 0:1]
    ly0 = y[:, 0:1]
    lz0 = z[:, 0:1]
    cx0 = jnp.where(gcol == 0, lx0, 0.0)
    cy0 = jnp.where(gcol == 0, ly0, 0.0)
    cz0 = jnp.where(gcol == 0, lz0, 0.0)

    def step(j, carry):
        lx, ly, lz, cx, cy, cz = carry
        dx = x - lx
        dy = y - ly
        dz = z - lz
        d = (dx * dx + dy * dy) + dz * dz
        dist = jnp.minimum(dist_ref[...], d)
        dist_ref[...] = dist
        mx = jnp.max(dist, axis=1, keepdims=True)
        nxt = jnp.min(jnp.where(dist == mx, flane, bigf), axis=1, keepdims=True)
        sel = flane == nxt
        lx = jnp.sum(jnp.where(sel, x, 0.0), axis=1, keepdims=True)
        ly = jnp.sum(jnp.where(sel, y, 0.0), axis=1, keepdims=True)
        lz = jnp.sum(jnp.where(sel, z, 0.0), axis=1, keepdims=True)
        hit = gcol == j
        cx = cx + jnp.where(hit, lx, 0.0)
        cy = cy + jnp.where(hit, ly, 0.0)
        cz = cz + jnp.where(hit, lz, 0.0)
        return lx, ly, lz, cx, cy, cz

    _, _, _, cx, cy, cz = lax.fori_loop(
        1, G, step, (lx0, ly0, lz0, cx0, cy0, cz0))
    cx_ref[...] = cx
    cy_ref[...] = cy
    cz_ref[...] = cz


def _fps_centers(x, y, z):
    B, N = x.shape
    G = NUM_GROUP_K
    out = jax.ShapeDtypeStruct((B, G), jnp.float32)
    return pl.pallas_call(
        _fps_body,
        out_shape=(out, out, out),
        scratch_shapes=[pltpu.VMEM((B, N), jnp.float32)],
    )(x, y, z)



def _knn_body(x_ref, y_ref, z_ref, c_ref, idx_ref, d_ref):
    N = x_ref.shape[2]
    M = idx_ref.shape[2]
    x = x_ref[0]
    y = y_ref[0]
    z = z_ref[0]
    c = c_ref[0]
    dx = c[:, 0:1] - x
    dy = c[:, 1:2] - y
    dz = c[:, 2:3] - z
    d0 = (dx * dx + dy * dy) + dz * dz
    d_ref[...] = d0
    flane = lax.broadcasted_iota(jnp.int32, (GBLK, N), 1).astype(jnp.float32)
    mcol = lax.broadcasted_iota(jnp.int32, (GBLK, M), 1)
    bigf = jnp.float32(2.0 * N)
    mn0 = jnp.min(d0, axis=1, keepdims=True)

    def body(j4, carry):
        acc, mn = carry
        d = d_ref[...]
        for u in range(8):
            am = jnp.min(jnp.where(d == mn, flane, bigf), axis=1,
                         keepdims=True)
            d = jnp.where(flane == am, jnp.inf, d)
            mn = jnp.min(d, axis=1, keepdims=True)
            acc = acc + jnp.where(mcol == 8 * j4 + u,
                                  am.astype(jnp.int32), 0)
        d_ref[...] = d
        return acc, mn

    acc, _ = lax.fori_loop(
        0, M // 8, body, (jnp.zeros((GBLK, M), jnp.int32), mn0))
    idx_ref[0] = acc


def _knn_topk(x, y, z, center):
    B, N = x.shape
    G = NUM_GROUP_K
    M = GROUP_SIZE_K
    grid = (B, G // GBLK)
    x3 = x[:, None, :]
    y3 = y[:, None, :]
    z3 = z[:, None, :]
    return pl.pallas_call(
        _knn_body,
        grid=grid,
        in_specs=[
            pl.BlockSpec((1, 1, N), lambda b, g: (b, 0, 0)),
            pl.BlockSpec((1, 1, N), lambda b, g: (b, 0, 0)),
            pl.BlockSpec((1, 1, N), lambda b, g: (b, 0, 0)),
            pl.BlockSpec((1, GBLK, 3), lambda b, g: (b, g, 0)),
        ],
        out_specs=pl.BlockSpec((1, GBLK, M), lambda b, g: (b, g, 0)),
        out_shape=jax.ShapeDtypeStruct((B, G, M), jnp.int32),
        scratch_shapes=[pltpu.VMEM((GBLK, N), jnp.float32)],
    )(x3, y3, z3, center)



def _sc_gather_normalize(flat_idx, pts_pad, cent_pad):
    R = flat_idx.shape[0]
    info = plsc.get_sparse_core_info()
    nw = info.num_cores * info.num_subcores
    rpw = R // nw
    gpw = rpw // GROUP_SIZE_K
    mesh = plsc.VectorSubcoreMesh(core_axis_name="c", subcore_axis_name="s")

    @functools.partial(
        pl.kernel,
        mesh=mesh,
        compiler_params=pltpu.CompilerParams(use_tc_tiling_on_sc=False),
        out_type=jax.ShapeDtypeStruct((R, ROW_PAD), jnp.float32),
        scratch_types=[
            pltpu.VMEM((rpw,), jnp.int32),
            pltpu.VMEM((rpw, ROW_PAD), jnp.float32),
            pltpu.VMEM((gpw, ROW_PAD), jnp.float32),
            pltpu.SemaphoreType.DMA,
        ],
    )
    def k(idx_hbm, pts_hbm, cent_hbm, out_hbm, idx_v, rows_v, cent_v, sem):
        wid = lax.axis_index("s") * info.num_cores + lax.axis_index("c")
        rbase = wid * rpw
        pltpu.sync_copy(idx_hbm.at[pl.ds(rbase, rpw)], idx_v)
        pltpu.async_copy(pts_hbm.at[idx_v], rows_v, sem).wait()
        pltpu.sync_copy(cent_hbm.at[pl.ds(wid * gpw, gpw)], cent_v)

        def body(g, _):
            cvec = cent_v[g]
            base = g * GROUP_SIZE_K
            for j in range(GROUP_SIZE_K):
                rows_v[base + j] = rows_v[base + j] - cvec
            return 0

        lax.fori_loop(0, gpw, body, 0)
        pltpu.sync_copy(rows_v, out_hbm.at[pl.ds(rbase, rpw)])

    return k(flat_idx, pts_pad, cent_pad)



def kernel(pts):
    B, N, C = pts.shape
    G = NUM_GROUP_K
    M = GROUP_SIZE_K
    x = pts[:, :, 0]
    y = pts[:, :, 1]
    z = pts[:, :, 2]
    cx, cy, cz = _fps_centers(x, y, z)
    center = jnp.stack([cx, cy, cz], axis=-1)
    idx = _knn_topk(x, y, z, center)
    flat_idx = (idx + jnp.arange(B, dtype=jnp.int32)[:, None, None] * N
                ).reshape(B * G * M)
    pts_pad = jnp.pad(pts.reshape(B * N, C), ((0, 0), (0, ROW_PAD - C)))
    cent_pad = jnp.pad(center.reshape(B * G, 3), ((0, 0), (0, ROW_PAD - 3)))
    rows = _sc_gather_normalize(flat_idx, pts_pad, cent_pad)
    neighborhood = rows[:, :C].reshape(B, G, M, C)
    return neighborhood, center

# --- scband reference (transcript-rebuilt; emitter-appended) ---
"""Pipeline reference for scband-group-50096498541038 (READ-ONLY COPY).

The authoritative reference and input builder live on the scoring server;
editing this copy changes nothing except your own understanding.
"""

import jax, jax.numpy as jnp
import numpy as np

NUM_GROUP = 512
GROUP_SIZE = 32


def _fps_single(xyz, num_group):
    # xyz: (N, 3) -> (num_group,) int32 farthest-point-sampling indices, seeded at index 0
    N = xyz.shape[0]

    def step(carry, _):
        dist, last = carry
        d = jnp.sum((xyz - xyz[last]) ** 2, axis=-1)
        dist = jnp.minimum(dist, d)
        nxt = jnp.argmax(dist).astype(jnp.int32)
        return (dist, nxt), nxt

    init = (jnp.full((N,), jnp.inf, dtype=xyz.dtype), jnp.int32(0))
    _, rest = jax.lax.scan(step, init, None, length=num_group - 1)
    return jnp.concatenate([jnp.zeros((1,), jnp.int32), rest])


def setup_inputs(seed: int = 0) -> dict:
    key = jax.random.key(seed)
    pts = jax.random.normal(key, (8, 8192, 6), dtype=jnp.float32)
    return {"pts": pts}


def reference(pts):
    B, N, C = pts.shape
    xyz = pts[:, :, :3]
    # FPS to pick group centers (indices are non-differentiable)
    fps_idx = jax.lax.stop_gradient(
        jax.vmap(lambda x: _fps_single(x, NUM_GROUP))(xyz)
    )  # (B, G)
    center = jax.vmap(lambda x, i: x[i])(xyz, fps_idx)  # (B, G, 3)
    # KNN: for each center, find GROUP_SIZE nearest points
    d = jnp.sum((center[:, :, None, :] - xyz[:, None, :, :]) ** 2, axis=-1)  # (B, G, N)
    _, idx = jax.lax.top_k(-d, GROUP_SIZE)  # (B, G, M)
    idx = jax.lax.stop_gradient(idx)
    # Gather neighborhoods
    neighborhood = jax.vmap(lambda p, i: p[i])(pts, idx)  # (B, G, M, C)
    neigh_xyz = neighborhood[..., :3] - center[:, :, None, :]
    neighborhood = jnp.concatenate([neigh_xyz, neighborhood[..., 3:]], axis=-1)
    return (neighborhood, center)

if __name__ == "__main__":
    import jax
    _d = setup_inputs()
    print(jax.jit(kernel)(*tuple(_d.values())))

</pallas_src>

<mosaic_0001>
#map = affine_map<(d0, d1) -> (0)>
#map1 = affine_map<(d0, d1) -> (0, 0)>
module attributes {stable_mosaic.version = 14 : i64} {
  func.func @k(%arg0: i32, %arg1: i32, %arg2: memref<131072xi32, #tpu.memory_space<hbm>>, %arg3: memref<65536x16xf32, #tpu.memory_space<hbm>>, %arg4: memref<4096x16xf32, #tpu.memory_space<hbm>>, %arg5: memref<131072x16xf32, #tpu.memory_space<hbm>>, %arg6: memref<4096xi32, #tpu.memory_space<vmem>>, %arg7: memref<4096x16xf32, #tpu.memory_space<vmem>>, %arg8: memref<128x16xf32, #tpu.memory_space<vmem>>, %arg9: memref<!tpu.dma_semaphore, #tpu.memory_space<semaphore_mem>>) attributes {dimension_semantics = [#tpu.dimension_semantics<core_parallel>, #tpu.dimension_semantics<subcore_parallel>], iteration_bounds = array<i64: 2, 16>, scalar_prefetch = 0 : i64, scratch_operands = 4 : i64, tpu.core_type = #tpu.core_type<sc_vector_subcore>, window_params = [{transform_indices = #map}, {transform_indices = #map1}, {transform_indices = #map1}, {transform_indices = #map1}]} {
    %mul3A = arith.constant 2 : i32
    %mul3A_0 = arith.muli %arg1, %mul3A : i32
    %add3A = arith.addi %mul3A_0, %arg0 : i32
    %mul3A_1 = arith.constant 4096 : i32
    %mul3A_2 = arith.muli %add3A, %mul3A_1 : i32
    "tpu.region"() ({
      %run_scoped3A = tpu.sem_alloc : memref<!tpu.dma_semaphore, #tpu.memory_space<semaphore_mem>>
      %dma_start3A_15 = tpu.memref_slice %arg2[%mul3A_2] : memref<131072xi32, #tpu.memory_space<hbm>> -> memref<4096xi32, #tpu.memory_space<hbm>>
      %dma_start3A_16 = tpu.memref_slice %arg2[%mul3A_2] : memref<131072xi32, #tpu.memory_space<hbm>> -> memref<4096xi32, #tpu.memory_space<hbm>>
      tpu.enqueue_dma source(%dma_start3A_16 : memref<4096xi32, #tpu.memory_space<hbm>>) target(%arg6 : memref<4096xi32, #tpu.memory_space<vmem>>) target_semaphore(%run_scoped3A : memref<!tpu.dma_semaphore, #tpu.memory_space<semaphore_mem>>)
      %dma_wait3A_17 = tpu.memref_slice %arg2[%mul3A_2] : memref<131072xi32, #tpu.memory_space<hbm>> -> memref<4096xi32, #tpu.memory_space<hbm>>
      %dma_wait3A_18 = tpu.memref_slice %arg2[%mul3A_2] : memref<131072xi32, #tpu.memory_space<hbm>> -> memref<4096xi32, #tpu.memory_space<hbm>>
      tpu.wait_dma2 semaphore(%run_scoped3A : memref<!tpu.dma_semaphore, #tpu.memory_space<semaphore_mem>>) src(%dma_wait3A_18 : memref<4096xi32, #tpu.memory_space<hbm>>) dst(%arg6 : memref<4096xi32, #tpu.memory_space<vmem>>)
      tpu.yield
    }) : () -> ()
    %dma_start3A = arith.constant 0 : i32
    %dma_start3A_3 = arith.constant 0 : i32
    %dma_start3A_4 = tpu.memref_slice %arg3[%dma_start3A, %dma_start3A_3] : memref<65536x16xf32, #tpu.memory_space<hbm>> -> memref<65536x16xf32, #tpu.memory_space<hbm>>
    tpu.enqueue_indirect_dma source(%dma_start3A_4 : memref<65536x16xf32, #tpu.memory_space<hbm>>) target(%arg7 : memref<4096x16xf32, #tpu.memory_space<vmem>>) offsets(%arg6 : memref<4096xi32, #tpu.memory_space<vmem>>) semaphore(%arg9 : memref<!tpu.dma_semaphore, #tpu.memory_space<semaphore_mem>>)
    %dma_wait3A = arith.constant 0 : i32
    %dma_wait3A_5 = arith.constant 0 : i32
    %dma_wait3A_6 = tpu.memref_slice %arg3[%dma_wait3A, %dma_wait3A_5] : memref<65536x16xf32, #tpu.memory_space<hbm>> -> memref<65536x16xf32, #tpu.memory_space<hbm>>
    tpu.wait_indirect_dma semaphore(%arg9 : memref<!tpu.dma_semaphore, #tpu.memory_space<semaphore_mem>>) src(%dma_wait3A_6 : memref<65536x16xf32, #tpu.memory_space<hbm>>) dst(%arg7 : memref<4096x16xf32, #tpu.memory_space<vmem>>)
    %mul3A_7 = arith.constant 128 : i32
    %mul3A_8 = arith.muli %add3A, %mul3A_7 : i32
    "tpu.region"() ({
      %run_scoped3A = tpu.sem_alloc : memref<!tpu.dma_semaphore, #tpu.memory_space<semaphore_mem>>
      %dma_start3A_15 = arith.constant 0 : i32
      %dma_start3A_16 = tpu.memref_slice %arg4[%mul3A_8, %dma_start3A_15] : memref<4096x16xf32, #tpu.memory_space<hbm>> -> memref<128x16xf32, #tpu.memory_space<hbm>>
      %dma_start3A_17 = arith.constant 0 : i32
      %dma_start3A_18 = tpu.memref_slice %arg4[%mul3A_8, %dma_start3A_17] : memref<4096x16xf32, #tpu.memory_space<hbm>> -> memref<128x16xf32, #tpu.memory_space<hbm>>
      tpu.enqueue_dma source(%dma_start3A_18 : memref<128x16xf32, #tpu.memory_space<hbm>>) target(%arg8 : memref<128x16xf32, #tpu.memory_space<vmem>>) target_semaphore(%run_scoped3A : memref<!tpu.dma_semaphore, #tpu.memory_space<semaphore_mem>>)
      %dma_wait3A_19 = arith.constant 0 : i32
      %dma_wait3A_20 = tpu.memref_slice %arg4[%mul3A_8, %dma_wait3A_19] : memref<4096x16xf32, #tpu.memory_space<hbm>> -> memref<128x16xf32, #tpu.memory_space<hbm>>
      %dma_wait3A_21 = arith.constant 0 : i32
      %dma_wait3A_22 = tpu.memref_slice %arg4[%mul3A_8, %dma_wait3A_21] : memref<4096x16xf32, #tpu.memory_space<hbm>> -> memref<128x16xf32, #tpu.memory_space<hbm>>
      tpu.wait_dma2 semaphore(%run_scoped3A : memref<!tpu.dma_semaphore, #tpu.memory_space<semaphore_mem>>) src(%dma_wait3A_22 : memref<128x16xf32, #tpu.memory_space<hbm>>) dst(%arg8 : memref<128x16xf32, #tpu.memory_space<vmem>>)
      tpu.yield
    }) : () -> ()
    %scan3A = arith.constant 0 : i32
    %scan3A_9 = arith.constant 0 : i32
    %scan3A_10 = arith.constant 128 : i32
    %scan3A_11 = arith.addi %scan3A_9, %scan3A_10 : i32
    %scan3A_12 = arith.constant 1 : i32
    %scan3A_13 = scf.for %scan3A_15 = %scan3A_9 to %scan3A_11 step %scan3A_12 iter_args(%scan3A_16 = %scan3A) -> (i32)  : i32 {
      %get3A = arith.index_cast %scan3A_15 : i32 to index
      %get3A_17 = arith.constant 0 : index
      %get3A_18 = tpu.vector_load %arg8[%get3A, %get3A_17] {strides = array<i32>} : memref<128x16xf32, #tpu.memory_space<vmem>>, vector<1x16xf32>,
      %get3A_19 = vector.shape_cast %get3A_18 : vector<1x16xf32> to vector<16xf32>
      %mul3A_20 = arith.constant 32 : i32
      %mul3A_21 = arith.muli %scan3A_15, %mul3A_20 : i32
      %add3A_22 = arith.constant 0 : i32
      %add3A_23 = arith.addi %mul3A_21, %add3A_22 : i32
      %get3A_24 = arith.index_cast %add3A_23 : i32 to index
      %get3A_25 = arith.constant 0 : index
      %get3A_26 = tpu.vector_load %arg7[%get3A_24, %get3A_25] {strides = array<i32>} : memref<4096x16xf32, #tpu.memory_space<vmem>>, vector<1x16xf32>,
      %get3A_27 = vector.shape_cast %get3A_26 : vector<1x16xf32> to vector<16xf32>
      %sub3A = arith.subf %get3A_27, %get3A_19 : vector<16xf32>
      %add3A_28 = arith.constant 0 : i32
      %add3A_29 = arith.addi %mul3A_21, %add3A_28 : i32
      %swap3A = arith.index_cast %add3A_29 : i32 to index
      %swap3A_30 = arith.constant 0 : index
      %swap3A_31 = tpu.vector_load %arg7[%swap3A, %swap3A_30] {strides = array<i32>} : memref<4096x16xf32, #tpu.memory_space<vmem>>, vector<1x16xf32>,
      %swap3A_32 = vector.shape_cast %swap3A_31 : vector<1x16xf32> to vector<16xf32>
      %swap3A_33 = vector.shape_cast %sub3A : vector<16xf32> to vector<1x16xf32>
      tpu.vector_store %arg7[%swap3A, %swap3A_30], %swap3A_33 {strides = array<i32>} : memref<4096x16xf32, #tpu.memory_space<vmem>>, vector<1x16xf32>,
      %add3A_34 = arith.constant 1 : i32
      %add3A_35 = arith.addi %mul3A_21, %add3A_34 : i32
      %get3A_36 = arith.index_cast %add3A_35 : i32 to index
      %get3A_37 = arith.constant 0 : index
      %get3A_38 = tpu.vector_load %arg7[%get3A_36, %get3A_37] {strides = array<i32>} : memref<4096x16xf32, #tpu.memory_space<vmem>>, vector<1x16xf32>,
      %get3A_39 = vector.shape_cast %get3A_38 : vector<1x16xf32> to vector<16xf32>
      %sub3A_40 = arith.subf %get3A_39, %get3A_19 : vector<16xf32>
      %add3A_41 = arith.constant 1 : i32
      %add3A_42 = arith.addi %mul3A_21, %add3A_41 : i32
      %swap3A_43 = arith.index_cast %add3A_42 : i32 to index
      %swap3A_44 = arith.constant 0 : index
      %swap3A_45 = tpu.vector_load %arg7[%swap3A_43, %swap3A_44] {strides = array<i32>} : memref<4096x16xf32, #tpu.memory_space<vmem>>, vector<1x16xf32>,
      %swap3A_46 = vector.shape_cast %swap3A_45 : vector<1x16xf32> to vector<16xf32>
      %swap3A_47 = vector.shape_cast %sub3A_40 : vector<16xf32> to vector<1x16xf32>
      tpu.vector_store %arg7[%swap3A_43, %swap3A_44], %swap3A_47 {strides = array<i32>} : memref<4096x16xf32, #tpu.memory_space<vmem>>, vector<1x16xf32>,
      %add3A_48 = arith.constant 2 : i32
      %add3A_49 = arith.addi %mul3A_21, %add3A_48 : i32
      %get3A_50 = arith.index_cast %add3A_49 : i32 to index
      %get3A_51 = arith.constant 0 : index
      %get3A_52 = tpu.vector_load %arg7[%get3A_50, %get3A_51] {strides = array<i32>} : memref<4096x16xf32, #tpu.memory_space<vmem>>, vector<1x16xf32>,
      %get3A_53 = vector.shape_cast %get3A_52 : vector<1x16xf32> to vector<16xf32>
      %sub3A_54 = arith.subf %get3A_53, %get3A_19 : vector<16xf32>
      %add3A_55 = arith.constant 2 : i32
      %add3A_56 = arith.addi %mul3A_21, %add3A_55 : i32
      %swap3A_57 = arith.index_cast %add3A_56 : i32 to index
      %swap3A_58 = arith.constant 0 : index
      %swap3A_59 = tpu.vector_load %arg7[%swap3A_57, %swap3A_58] {strides = array<i32>} : memref<4096x16xf32, #tpu.memory_space<vmem>>, vector<1x16xf32>,
      %swap3A_60 = vector.shape_cast %swap3A_59 : vector<1x16xf32> to vector<16xf32>
      %swap3A_61 = vector.shape_cast %sub3A_54 : vector<16xf32> to vector<1x16xf32>
      tpu.vector_store %arg7[%swap3A_57, %swap3A_58], %swap3A_61 {strides = array<i32>} : memref<4096x16xf32, #tpu.memory_space<vmem>>, vector<1x16xf32>,
      %add3A_62 = arith.constant 3 : i32
      %add3A_63 = arith.addi %mul3A_21, %add3A_62 : i32
      %get3A_64 = arith.index_cast %add3A_63 : i32 to index
      %get3A_65 = arith.constant 0 : index
      %get3A_66 = tpu.vector_load %arg7[%get3A_64, %get3A_65] {strides = array<i32>} : memref<4096x16xf32, #tpu.memory_space<vmem>>, vector<1x16xf32>,
      %get3A_67 = vector.shape_cast %get3A_66 : vector<1x16xf32> to vector<16xf32>
      %sub3A_68 = arith.subf %get3A_67, %get3A_19 : vector<16xf32>
      %add3A_69 = arith.constant 3 : i32
      %add3A_70 = arith.addi %mul3A_21, %add3A_69 : i32
      %swap3A_71 = arith.index_cast %add3A_70 : i32 to index
      %swap3A_72 = arith.constant 0 : index
      %swap3A_73 = tpu.vector_load %arg7[%swap3A_71, %swap3A_72] {strides = array<i32>} : memref<4096x16xf32, #tpu.memory_space<vmem>>, vector<1x16xf32>,
      %swap3A_74 = vector.shape_cast %swap3A_73 : vector<1x16xf32> to vector<16xf32>
      %swap3A_75 = vector.shape_cast %sub3A_68 : vector<16xf32> to vector<1x16xf32>
      tpu.vector_store %arg7[%swap3A_71, %swap3A_72], %swap3A_75 {strides = array<i32>} : memref<4096x16xf32, #tpu.memory_space<vmem>>, vector<1x16xf32>,
      %add3A_76 = arith.constant 4 : i32
      %add3A_77 = arith.addi %mul3A_21, %add3A_76 : i32
      %get3A_78 = arith.index_cast %add3A_77 : i32 to index
      %get3A_79 = arith.constant 0 : index
      %get3A_80 = tpu.vector_load %arg7[%get3A_78, %get3A_79] {strides = array<i32>} : memref<4096x16xf32, #tpu.memory_space<vmem>>, vector<1x16xf32>,
      %get3A_81 = vector.shape_cast %get3A_80 : vector<1x16xf32> to vector<16xf32>
      %sub3A_82 = arith.subf %get3A_81, %get3A_19 : vector<16xf32>
      %add3A_83 = arith.constant 4 : i32
      %add3A_84 = arith.addi %mul3A_21, %add3A_83 : i32
      %swap3A_85 = arith.index_cast %add3A_84 : i32 to index
      %swap3A_86 = arith.constant 0 : index
      %swap3A_87 = tpu.vector_load %arg7[%swap3A_85, %swap3A_86] {strides = array<i32>} : memref<4096x16xf32, #tpu.memory_space<vmem>>, vector<1x16xf32>,
      %swap3A_88 = vector.shape_cast %swap3A_87 : vector<1x16xf32> to vector<16xf32>
      %swap3A_89 = vector.shape_cast %sub3A_82 : vector<16xf32> to vector<1x16xf32>
      tpu.vector_store %arg7[%swap3A_85, %swap3A_86], %swap3A_89 {strides = array<i32>} : memref<4096x16xf32, #tpu.memory_space<vmem>>, vector<1x16xf32>,
      %add3A_90 = arith.constant 5 : i32
      %add3A_91 = arith.addi %mul3A_21, %add3A_90 : i32
      %get3A_92 = arith.index_cast %add3A_91 : i32 to index
      %get3A_93 = arith.constant 0 : index
      %get3A_94 = tpu.vector_load %arg7[%get3A_92, %get3A_93] {strides = array<i32>} : memref<4096x16xf32, #tpu.memory_space<vmem>>, vector<1x16xf32>,
      %get3A_95 = vector.shape_cast %get3A_94 : vector<1x16xf32> to vector<16xf32>
      %sub3A_96 = arith.subf %get3A_95, %get3A_19 : vector<16xf32>
      %add3A_97 = arith.constant 5 : i32
      %add3A_98 = arith.addi %mul3A_21, %add3A_97 : i32
      %swap3A_99 = arith.index_cast %add3A_98 : i32 to index
      %swap3A_100 = arith.constant 0 : index
      %swap3A_101 = tpu.vector_load %arg7[%swap3A_99, %swap3A_100] {strides = array<i32>} : memref<4096x16xf32, #tpu.memory_space<vmem>>, vector<1x16xf32>,
      %swap3A_102 = vector.shape_cast %swap3A_101 : vector<1x16xf32> to vector<16xf32>
      %swap3A_103 = vector.shape_cast %sub3A_96 : vector<16xf32> to vector<1x16xf32>
      tpu.vector_store %arg7[%swap3A_99, %swap3A_100], %swap3A_103 {strides = array<i32>} : memref<4096x16xf32, #tpu.memory_space<vmem>>, vector<1x16xf32>,
      %add3A_104 = arith.constant 6 : i32
      %add3A_105 = arith.addi %mul3A_21, %add3A_104 : i32
      %get3A_106 = arith.index_cast %add3A_105 : i32 to index
      %get3A_107 = arith.constant 0 : index
      %get3A_108 = tpu.vector_load %arg7[%get3A_106, %get3A_107] {strides = array<i32>} : memref<4096x16xf32, #tpu.memory_space<vmem>>, vector<1x16xf32>,
      %get3A_109 = vector.shape_cast %get3A_108 : vector<1x16xf32> to vector<16xf32>
      %sub3A_110 = arith.subf %get3A_109, %get3A_19 : vector<16xf32>
      %add3A_111 = arith.constant 6 : i32
      %add3A_112 = arith.addi %mul3A_21, %add3A_111 : i32
      %swap3A_113 = arith.index_cast %add3A_112 : i32 to index
      %swap3A_114 = arith.constant 0 : index
      %swap3A_115 = tpu.vector_load %arg7[%swap3A_113, %swap3A_114] {strides = array<i32>} : memref<4096x16xf32, #tpu.memory_space<vmem>>, vector<1x16xf32>,
      %swap3A_116 = vector.shape_cast %swap3A_115 : vector<1x16xf32> to vector<16xf32>
      %swap3A_117 = vector.shape_cast %sub3A_110 : vector<16xf32> to vector<1x16xf32>
      tpu.vector_store %arg7[%swap3A_113, %swap3A_114], %swap3A_117 {strides = array<i32>} : memref<4096x16xf32, #tpu.memory_space<vmem>>, vector<1x16xf32>,
      %add3A_118 = arith.constant 7 : i32
      %add3A_119 = arith.addi %mul3A_21, %add3A_118 : i32
      %get3A_120 = arith.index_cast %add3A_119 : i32 to index
      %get3A_121 = arith.constant 0 : index
      %get3A_122 = tpu.vector_load %arg7[%get3A_120, %get3A_121] {strides = array<i32>} : memref<4096x16xf32, #tpu.memory_space<vmem>>, vector<1x16xf32>,
      %get3A_123 = vector.shape_cast %get3A_122 : vector<1x16xf32> to vector<16xf32>
      %sub3A_124 = arith.subf %get3A_123, %get3A_19 : vector<16xf32>
      %add3A_125 = arith.constant 7 : i32
      %add3A_126 = arith.addi %mul3A_21, %add3A_125 : i32
      %swap3A_127 = arith.index_cast %add3A_126 : i32 to index
      %swap3A_128 = arith.constant 0 : index
      %swap3A_129 = tpu.vector_load %arg7[%swap3A_127, %swap3A_128] {strides = array<i32>} : memref<4096x16xf32, #tpu.memory_space<vmem>>, vector<1x16xf32>,
      %swap3A_130 = vector.shape_cast %swap3A_129 : vector<1x16xf32> to vector<16xf32>
      %swap3A_131 = vector.shape_cast %sub3A_124 : vector<16xf32> to vector<1x16xf32>
      tpu.vector_store %arg7[%swap3A_127, %swap3A_128], %swap3A_131 {strides = array<i32>} : memref<4096x16xf32, #tpu.memory_space<vmem>>, vector<1x16xf32>,
      %add3A_132 = arith.constant 8 : i32
      %add3A_133 = arith.addi %mul3A_21, %add3A_132 : i32
      %get3A_134 = arith.index_cast %add3A_133 : i32 to index
      %get3A_135 = arith.constant 0 : index
      %get3A_136 = tpu.vector_load %arg7[%get3A_134, %get3A_135] {strides = array<i32>} : memref<4096x16xf32, #tpu.memory_space<vmem>>, vector<1x16xf32>,
      %get3A_137 = vector.shape_cast %get3A_136 : vector<1x16xf32> to vector<16xf32>
      %sub3A_138 = arith.subf %get3A_137, %get3A_19 : vector<16xf32>
      %add3A_139 = arith.constant 8 : i32
      %add3A_140 = arith.addi %mul3A_21, %add3A_139 : i32
      %swap3A_141 = arith.index_cast %add3A_140 : i32 to index
      %swap3A_142 = arith.constant 0 : index
      %swap3A_143 = tpu.vector_load %arg7[%swap3A_141, %swap3A_142] {strides = array<i32>} : memref<4096x16xf32, #tpu.memory_space<vmem>>, vector<1x16xf32>,
      %swap3A_144 = vector.shape_cast %swap3A_143 : vector<1x16xf32> to vector<16xf32>
      %swap3A_145 = vector.shape_cast %sub3A_138 : vector<16xf32> to vector<1x16xf32>
      tpu.vector_store %arg7[%swap3A_141, %swap3A_142], %swap3A_145 {strides = array<i32>} : memref<4096x16xf32, #tpu.memory_space<vmem>>, vector<1x16xf32>,
      %add3A_146 = arith.constant 9 : i32
      %add3A_147 = arith.addi %mul3A_21, %add3A_146 : i32
      %get3A_148 = arith.index_cast %add3A_147 : i32 to index
      %get3A_149 = arith.constant 0 : index
      %get3A_150 = tpu.vector_load %arg7[%get3A_148, %get3A_149] {strides = array<i32>} : memref<4096x16xf32, #tpu.memory_space<vmem>>, vector<1x16xf32>,
      %get3A_151 = vector.shape_cast %get3A_150 : vector<1x16xf32> to vector<16xf32>
      %sub3A_152 = arith.subf %get3A_151, %get3A_19 : vector<16xf32>
      %add3A_153 = arith.constant 9 : i32
      %add3A_154 = arith.addi %mul3A_21, %add3A_153 : i32
      %swap3A_155 = arith.index_cast %add3A_154 : i32 to index
      %swap3A_156 = arith.constant 0 : index
      %swap3A_157 = tpu.vector_load %arg7[%swap3A_155, %swap3A_156] {strides = array<i32>} : memref<4096x16xf32, #tpu.memory_space<vmem>>, vector<1x16xf32>,
      %swap3A_158 = vector.shape_cast %swap3A_157 : vector<1x16xf32> to vector<16xf32>
      %swap3A_159 = vector.shape_cast %sub3A_152 : vector<16xf32> to vector<1x16xf32>
      tpu.vector_store %arg7[%swap3A_155, %swap3A_156], %swap3A_159 {strides = array<i32>} : memref<4096x16xf32, #tpu.memory_space<vmem>>, vector<1x16xf32>,
      %add3A_160 = arith.constant 10 : i32
      %add3A_161 = arith.addi %mul3A_21, %add3A_160 : i32
      %get3A_162 = arith.index_cast %add3A_161 : i32 to index
      %get3A_163 = arith.constant 0 : index
      %get3A_164 = tpu.vector_load %arg7[%get3A_162, %get3A_163] {strides = array<i32>} : memref<4096x16xf32, #tpu.memory_space<vmem>>, vector<1x16xf32>,
      %get3A_165 = vector.shape_cast %get3A_164 : vector<1x16xf32> to vector<16xf32>
      %sub3A_166 = arith.subf %get3A_165, %get3A_19 : vector<16xf32>
      %add3A_167 = arith.constant 10 : i32
      %add3A_168 = arith.addi %mul3A_21, %add3A_167 : i32
      %swap3A_169 = arith.index_cast %add3A_168 : i32 to index
      %swap3A_170 = arith.constant 0 : index
      %swap3A_171 = tpu.vector_load %arg7[%swap3A_169, %swap3A_170] {strides = array<i32>} : memref<4096x16xf32, #tpu.memory_space<vmem>>, vector<1x16xf32>,
      %swap3A_172 = vector.shape_cast %swap3A_171 : vector<1x16xf32> to vector<16xf32>
      %swap3A_173 = vector.shape_cast %sub3A_166 : vector<16xf32> to vector<1x16xf32>
      tpu.vector_store %arg7[%swap3A_169, %swap3A_170], %swap3A_173 {strides = array<i32>} : memref<4096x16xf32, #tpu.memory_space<vmem>>, vector<1x16xf32>,
      %add3A_174 = arith.constant 11 : i32
      %add3A_175 = arith.addi %mul3A_21, %add3A_174 : i32
      %get3A_176 = arith.index_cast %add3A_175 : i32 to index
      %get3A_177 = arith.constant 0 : index
      %get3A_178 = tpu.vector_load %arg7[%get3A_176, %get3A_177] {strides = array<i32>} : memref<4096x16xf32, #tpu.memory_space<vmem>>, vector<1x16xf32>,
      %get3A_179 = vector.shape_cast %get3A_178 : vector<1x16xf32> to vector<16xf32>
      %sub3A_180 = arith.subf %get3A_179, %get3A_19 : vector<16xf32>
      %add3A_181 = arith.constant 11 : i32
      %add3A_182 = arith.addi %mul3A_21, %add3A_181 : i32
      %swap3A_183 = arith.index_cast %add3A_182 : i32 to index
      %swap3A_184 = arith.constant 0 : index
      %swap3A_185 = tpu.vector_load %arg7[%swap3A_183, %swap3A_184] {strides = array<i32>} : memref<4096x16xf32, #tpu.memory_space<vmem>>, vector<1x16xf32>,
      %swap3A_186 = vector.shape_cast %swap3A_185 : vector<1x16xf32> to vector<16xf32>
      %swap3A_187 = vector.shape_cast %sub3A_180 : vector<16xf32> to vector<1x16xf32>
      tpu.vector_store %arg7[%swap3A_183, %swap3A_184], %swap3A_187 {strides = array<i32>} : memref<4096x16xf32, #tpu.memory_space<vmem>>, vector<1x16xf32>,
      %add3A_188 = arith.constant 12 : i32
      %add3A_189 = arith.addi %mul3A_21, %add3A_188 : i32
      %get3A_190 = arith.index_cast %add3A_189 : i32 to index
      %get3A_191 = arith.constant 0 : index
      %get3A_192 = tpu.vector_load %arg7[%get3A_190, %get3A_191] {strides = array<i32>} : memref<4096x16xf32, #tpu.memory_space<vmem>>, vector<1x16xf32>,
      %get3A_193 = vector.shape_cast %get3A_192 : vector<1x16xf32> to vector<16xf32>
      %sub3A_194 = arith.subf %get3A_193, %get3A_19 : vector<16xf32>
      %add3A_195 = arith.constant 12 : i32
      %add3A_196 = arith.addi %mul3A_21, %add3A_195 : i32
      %swap3A_197 = arith.index_cast %add3A_196 : i32 to index
      %swap3A_198 = arith.constant 0 : index
      %swap3A_199 = tpu.vector_load %arg7[%swap3A_197, %swap3A_198] {strides = array<i32>} : memref<4096x16xf32, #tpu.memory_space<vmem>>, vector<1x16xf32>,
      %swap3A_200 = vector.shape_cast %swap3A_199 : vector<1x16xf32> to vector<16xf32>
      %swap3A_201 = vector.shape_cast %sub3A_194 : vector<16xf32> to vector<1x16xf32>
      tpu.vector_store %arg7[%swap3A_197, %swap3A_198], %swap3A_201 {strides = array<i32>} : memref<4096x16xf32, #tpu.memory_space<vmem>>, vector<1x16xf32>,
      %add3A_202 = arith.constant 13 : i32
      %add3A_203 = arith.addi %mul3A_21, %add3A_202 : i32
      %get3A_204 = arith.index_cast %add3A_203 : i32 to index
      %get3A_205 = arith.constant 0 : index
      %get3A_206 = tpu.vector_load %arg7[%get3A_204, %get3A_205] {strides = array<i32>} : memref<4096x16xf32, #tpu.memory_space<vmem>>, vector<1x16xf32>,
      %get3A_207 = vector.shape_cast %get3A_206 : vector<1x16xf32> to vector<16xf32>
      %sub3A_208 = arith.subf %get3A_207, %get3A_19 : vector<16xf32>
      %add3A_209 = arith.constant 13 : i32
      %add3A_210 = arith.addi %mul3A_21, %add3A_209 : i32
      %swap3A_211 = arith.index_cast %add3A_210 : i32 to index
      %swap3A_212 = arith.constant 0 : index
      %swap3A_213 = tpu.vector_load %arg7[%swap3A_211, %swap3A_212] {strides = array<i32>} : memref<4096x16xf32, #tpu.memory_space<vmem>>, vector<1x16xf32>,
      %swap3A_214 = vector.shape_cast %swap3A_213 : vector<1x16xf32> to vector<16xf32>
      %swap3A_215 = vector.shape_cast %sub3A_208 : vector<16xf32> to vector<1x16xf32>
      tpu.vector_store %arg7[%swap3A_211, %swap3A_212], %swap3A_215 {strides = array<i32>} : memref<4096x16xf32, #tpu.memory_space<vmem>>, vector<1x16xf32>,
      %add3A_216 = arith.constant 14 : i32
      %add3A_217 = arith.addi %mul3A_21, %add3A_216 : i32
      %get3A_218 = arith.index_cast %add3A_217 : i32 to index
      %get3A_219 = arith.constant 0 : index
      %get3A_220 = tpu.vector_load %arg7[%get3A_218, %get3A_219] {strides = array<i32>} : memref<4096x16xf32, #tpu.memory_space<vmem>>, vector<1x16xf32>,
      %get3A_221 = vector.shape_cast %get3A_220 : vector<1x16xf32> to vector<16xf32>
      %sub3A_222 = arith.subf %get3A_221, %get3A_19 : vector<16xf32>
      %add3A_223 = arith.constant 14 : i32
      %add3A_224 = arith.addi %mul3A_21, %add3A_223 : i32
      %swap3A_225 = arith.index_cast %add3A_224 : i32 to index
      %swap3A_226 = arith.constant 0 : index
      %swap3A_227 = tpu.vector_load %arg7[%swap3A_225, %swap3A_226] {strides = array<i32>} : memref<4096x16xf32, #tpu.memory_space<vmem>>, vector<1x16xf32>,
      %swap3A_228 = vector.shape_cast %swap3A_227 : vector<1x16xf32> to vector<16xf32>
      %swap3A_229 = vector.shape_cast %sub3A_222 : vector<16xf32> to vector<1x16xf32>
      tpu.vector_store %arg7[%swap3A_225, %swap3A_226], %swap3A_229 {strides = array<i32>} : memref<4096x16xf32, #tpu.memory_space<vmem>>, vector<1x16xf32>,
      %add3A_230 = arith.constant 15 : i32
      %add3A_231 = arith.addi %mul3A_21, %add3A_230 : i32
      %get3A_232 = arith.index_cast %add3A_231 : i32 to index
      %get3A_233 = arith.constant 0 : index
      %get3A_234 = tpu.vector_load %arg7[%get3A_232, %get3A_233] {strides = array<i32>} : memref<4096x16xf32, #tpu.memory_space<vmem>>, vector<1x16xf32>,
      %get3A_235 = vector.shape_cast %get3A_234 : vector<1x16xf32> to vector<16xf32>
      %sub3A_236 = arith.subf %get3A_235, %get3A_19 : vector<16xf32>
      %add3A_237 = arith.constant 15 : i32
      %add3A_238 = arith.addi %mul3A_21, %add3A_237 : i32
      %swap3A_239 = arith.index_cast %add3A_238 : i32 to index
      %swap3A_240 = arith.constant 0 : index
      %swap3A_241 = tpu.vector_load %arg7[%swap3A_239, %swap3A_240] {strides = array<i32>} : memref<4096x16xf32, #tpu.memory_space<vmem>>, vector<1x16xf32>,
      %swap3A_242 = vector.shape_cast %swap3A_241 : vector<1x16xf32> to vector<16xf32>
      %swap3A_243 = vector.shape_cast %sub3A_236 : vector<16xf32> to vector<1x16xf32>
      tpu.vector_store %arg7[%swap3A_239, %swap3A_240], %swap3A_243 {strides = array<i32>} : memref<4096x16xf32, #tpu.memory_space<vmem>>, vector<1x16xf32>,
      %add3A_244 = arith.constant 16 : i32
      %add3A_245 = arith.addi %mul3A_21, %add3A_244 : i32
      %get3A_246 = arith.index_cast %add3A_245 : i32 to index
      %get3A_247 = arith.constant 0 : index
      %get3A_248 = tpu.vector_load %arg7[%get3A_246, %get3A_247] {strides = array<i32>} : memref<4096x16xf32, #tpu.memory_space<vmem>>, vector<1x16xf32>,
      %get3A_249 = vector.shape_cast %get3A_248 : vector<1x16xf32> to vector<16xf32>
      %sub3A_250 = arith.subf %get3A_249, %get3A_19 : vector<16xf32>
      %add3A_251 = arith.constant 16 : i32
      %add3A_252 = arith.addi %mul3A_21, %add3A_251 : i32
      %swap3A_253 = arith.index_cast %add3A_252 : i32 to index
      %swap3A_254 = arith.constant 0 : index
      %swap3A_255 = tpu.vector_load %arg7[%swap3A_253, %swap3A_254] {strides = array<i32>} : memref<4096x16xf32, #tpu.memory_space<vmem>>, vector<1x16xf32>,
      %swap3A_256 = vector.shape_cast %swap3A_255 : vector<1x16xf32> to vector<16xf32>
      %swap3A_257 = vector.shape_cast %sub3A_250 : vector<16xf32> to vector<1x16xf32>
      tpu.vector_store %arg7[%swap3A_253, %swap3A_254], %swap3A_257 {strides = array<i32>} : memref<4096x16xf32, #tpu.memory_space<vmem>>, vector<1x16xf32>,
      %add3A_258 = arith.constant 17 : i32
      %add3A_259 = arith.addi %mul3A_21, %add3A_258 : i32
      %get3A_260 = arith.index_cast %add3A_259 : i32 to index
      %get3A_261 = arith.constant 0 : index
      %get3A_262 = tpu.vector_load %arg7[%get3A_260, %get3A_261] {strides = array<i32>} : memref<4096x16xf32, #tpu.memory_space<vmem>>, vector<1x16xf32>,
      %get3A_263 = vector.shape_cast %get3A_262 : vector<1x16xf32> to vector<16xf32>
      %sub3A_264 = arith.subf %get3A_263, %get3A_19 : vector<16xf32>
      %add3A_265 = arith.constant 17 : i32
      %add3A_266 = arith.addi %mul3A_21, %add3A_265 : i32
      %swap3A_267 = arith.index_cast %add3A_266 : i32 to index
      %swap3A_268 = arith.constant 0 : index
      %swap3A_269 = tpu.vector_load %arg7[%swap3A_267, %swap3A_268] {strides = array<i32>} : memref<4096x16xf32, #tpu.memory_space<vmem>>, vector<1x16xf32>,
      %swap3A_270 = vector.shape_cast %swap3A_269 : vector<1x16xf32> to vector<16xf32>
      %swap3A_271 = vector.shape_cast %sub3A_264 : vector<16xf32> to vector<1x16xf32>
      tpu.vector_store %arg7[%swap3A_267, %swap3A_268], %swap3A_271 {strides = array<i32>} : memref<4096x16xf32, #tpu.memory_space<vmem>>, vector<1x16xf32>,
      %add3A_272 = arith.constant 18 : i32
      %add3A_273 = arith.addi %mul3A_21, %add3A_272 : i32
      %get3A_274 = arith.index_cast %add3A_273 : i32 to index
      %get3A_275 = arith.constant 0 : index
      %get3A_276 = tpu.vector_load %arg7[%get3A_274, %get3A_275] {strides = array<i32>} : memref<4096x16xf32, #tpu.memory_space<vmem>>, vector<1x16xf32>,
      %get3A_277 = vector.shape_cast %get3A_276 : vector<1x16xf32> to vector<16xf32>
      %sub3A_278 = arith.subf %get3A_277, %get3A_19 : vector<16xf32>
      %add3A_279 = arith.constant 18 : i32
      %add3A_280 = arith.addi %mul3A_21, %add3A_279 : i32
      %swap3A_281 = arith.index_cast %add3A_280 : i32 to index
      %swap3A_282 = arith.constant 0 : index
      %swap3A_283 = tpu.vector_load %arg7[%swap3A_281, %swap3A_282] {strides = array<i32>} : memref<4096x16xf32, #tpu.memory_space<vmem>>, vector<1x16xf32>,
      %swap3A_284 = vector.shape_cast %swap3A_283 : vector<1x16xf32> to vector<16xf32>
      %swap3A_285 = vector.shape_cast %sub3A_278 : vector<16xf32> to vector<1x16xf32>
      tpu.vector_store %arg7[%swap3A_281, %swap3A_282], %swap3A_285 {strides = array<i32>} : memref<4096x16xf32, #tpu.memory_space<vmem>>, vector<1x16xf32>,
      %add3A_286 = arith.constant 19 : i32
      %add3A_287 = arith.addi %mul3A_21, %add3A_286 : i32
      %get3A_288 = arith.index_cast %add3A_287 : i32 to index
      %get3A_289 = arith.constant 0 : index
      %get3A_290 = tpu.vector_load %arg7[%get3A_288, %get3A_289] {strides = array<i32>} : memref<4096x16xf32, #tpu.memory_space<vmem>>, vector<1x16xf32>,
      %get3A_291 = vector.shape_cast %get3A_290 : vector<1x16xf32> to vector<16xf32>
      %sub3A_292 = arith.subf %get3A_291, %get3A_19 : vector<16xf32>
      %add3A_293 = arith.constant 19 : i32
      %add3A_294 = arith.addi %mul3A_21, %add3A_293 : i32
      %swap3A_295 = arith.index_cast %add3A_294 : i32 to index
      %swap3A_296 = arith.constant 0 : index
      %swap3A_297 = tpu.vector_load %arg7[%swap3A_295, %swap3A_296] {strides = array<i32>} : memref<4096x16xf32, #tpu.memory_space<vmem>>, vector<1x16xf32>,
      %swap3A_298 = vector.shape_cast %swap3A_297 : vector<1x16xf32> to vector<16xf32>
      %swap3A_299 = vector.shape_cast %sub3A_292 : vector<16xf32> to vector<1x16xf32>
      tpu.vector_store %arg7[%swap3A_295, %swap3A_296], %swap3A_299 {strides = array<i32>} : memref<4096x16xf32, #tpu.memory_space<vmem>>, vector<1x16xf32>,
      %add3A_300 = arith.constant 20 : i32
      %add3A_301 = arith.addi %mul3A_21, %add3A_300 : i32
      %get3A_302 = arith.index_cast %add3A_301 : i32 to index
      %get3A_303 = arith.constant 0 : index
      %get3A_304 = tpu.vector_load %arg7[%get3A_302, %get3A_303] {strides = array<i32>} : memref<4096x16xf32, #tpu.memory_space<vmem>>, vector<1x16xf32>,
      %get3A_305 = vector.shape_cast %get3A_304 : vector<1x16xf32> to vector<16xf32>
      %sub3A_306 = arith.subf %get3A_305, %get3A_19 : vector<16xf32>
      %add3A_307 = arith.constant 20 : i32
      %add3A_308 = arith.addi %mul3A_21, %add3A_307 : i32
      %swap3A_309 = arith.index_cast %add3A_308 : i32 to index
      %swap3A_310 = arith.constant 0 : index
      %swap3A_311 = tpu.vector_load %arg7[%swap3A_309, %swap3A_310] {strides = array<i32>} : memref<4096x16xf32, #tpu.memory_space<vmem>>, vector<1x16xf32>,
      %swap3A_312 = vector.shape_cast %swap3A_311 : vector<1x16xf32> to vector<16xf32>
      %swap3A_313 = vector.shape_cast %sub3A_306 : vector<16xf32> to vector<1x16xf32>
      tpu.vector_store %arg7[%swap3A_309, %swap3A_310], %swap3A_313 {strides = array<i32>} : memref<4096x16xf32, #tpu.memory_space<vmem>>, vector<1x16xf32>,
      %add3A_314 = arith.constant 21 : i32
      %add3A_315 = arith.addi %mul3A_21, %add3A_314 : i32
      %get3A_316 = arith.index_cast %add3A_315 : i32 to index
      %get3A_317 = arith.constant 0 : index
      %get3A_318 = tpu.vector_load %arg7[%get3A_316, %get3A_317] {strides = array<i32>} : memref<4096x16xf32, #tpu.memory_space<vmem>>, vector<1x16xf32>,
      %get3A_319 = vector.shape_cast %get3A_318 : vector<1x16xf32> to vector<16xf32>
      %sub3A_320 = arith.subf %get3A_319, %get3A_19 : vector<16xf32>
      %add3A_321 = arith.constant 21 : i32
      %add3A_322 = arith.addi %mul3A_21, %add3A_321 : i32
      %swap3A_323 = arith.index_cast %add3A_322 : i32 to index
      %swap3A_324 = arith.constant 0 : index
      %swap3A_325 = tpu.vector_load %arg7[%swap3A_323, %swap3A_324] {strides = array<i32>} : memref<4096x16xf32, #tpu.memory_space<vmem>>, vector<1x16xf32>,
      %swap3A_326 = vector.shape_cast %swap3A_325 : vector<1x16xf32> to vector<16xf32>
      %swap3A_327 = vector.shape_cast %sub3A_320 : vector<16xf32> to vector<1x16xf32>
      tpu.vector_store %arg7[%swap3A_323, %swap3A_324], %swap3A_327 {strides = array<i32>} : memref<4096x16xf32, #tpu.memory_space<vmem>>, vector<1x16xf32>,
      %add3A_328 = arith.constant 22 : i32
      %add3A_329 = arith.addi %mul3A_21, %add3A_328 : i32
      %get3A_330 = arith.index_cast %add3A_329 : i32 to index
      %get3A_331 = arith.constant 0 : index
      %get3A_332 = tpu.vector_load %arg7[%get3A_330, %get3A_331] {strides = array<i32>} : memref<4096x16xf32, #tpu.memory_space<vmem>>, vector<1x16xf32>,
      %get3A_333 = vector.shape_cast %get3A_332 : vector<1x16xf32> to vector<16xf32>
      %sub3A_334 = arith.subf %get3A_333, %get3A_19 : vector<16xf32>
      %add3A_335 = arith.constant 22 : i32
      %add3A_336 = arith.addi %mul3A_21, %add3A_335 : i32
      %swap3A_337 = arith.index_cast %add3A_336 : i32 to index
      %swap3A_338 = arith.constant 0 : index
      %swap3A_339 = tpu.vector_load %arg7[%swap3A_337, %swap3A_338] {strides = array<i32>} : memref<4096x16xf32, #tpu.memory_space<vmem>>, vector<1x16xf32>,
      %swap3A_340 = vector.shape_cast %swap3A_339 : vector<1x16xf32> to vector<16xf32>
      %swap3A_341 = vector.shape_cast %sub3A_334 : vector<16xf32> to vector<1x16xf32>
      tpu.vector_store %arg7[%swap3A_337, %swap3A_338], %swap3A_341 {strides = array<i32>} : memref<4096x16xf32, #tpu.memory_space<vmem>>, vector<1x16xf32>,
      %add3A_342 = arith.constant 23 : i32
      %add3A_343 = arith.addi %mul3A_21, %add3A_342 : i32
      %get3A_344 = arith.index_cast %add3A_343 : i32 to index
      %get3A_345 = arith.constant 0 : index
      %get3A_346 = tpu.vector_load %arg7[%get3A_344, %get3A_345] {strides = array<i32>} : memref<4096x16xf32, #tpu.memory_space<vmem>>, vector<1x16xf32>,
      %get3A_347 = vector.shape_cast %get3A_346 : vector<1x16xf32> to vector<16xf32>
      %sub3A_348 = arith.subf %get3A_347, %get3A_19 : vector<16xf32>
      %add3A_349 = arith.constant 23 : i32
      %add3A_350 = arith.addi %mul3A_21, %add3A_349 : i32
      %swap3A_351 = arith.index_cast %add3A_350 : i32 to index
      %swap3A_352 = arith.constant 0 : index
      %swap3A_353 = tpu.vector_load %arg7[%swap3A_351, %swap3A_352] {strides = array<i32>} : memref<4096x16xf32, #tpu.memory_space<vmem>>, vector<1x16xf32>,
      %swap3A_354 = vector.shape_cast %swap3A_353 : vector<1x16xf32> to vector<16xf32>
      %swap3A_355 = vector.shape_cast %sub3A_348 : vector<16xf32> to vector<1x16xf32>
      tpu.vector_store %arg7[%swap3A_351, %swap3A_352], %swap3A_355 {strides = array<i32>} : memref<4096x16xf32, #tpu.memory_space<vmem>>, vector<1x16xf32>,
      %add3A_356 = arith.constant 24 : i32
      %add3A_357 = arith.addi %mul3A_21, %add3A_356 : i32
      %get3A_358 = arith.index_cast %add3A_357 : i32 to index
      %get3A_359 = arith.constant 0 : index
      %get3A_360 = tpu.vector_load %arg7[%get3A_358, %get3A_359] {strides = array<i32>} : memref<4096x16xf32, #tpu.memory_space<vmem>>, vector<1x16xf32>,
      %get3A_361 = vector.shape_cast %get3A_360 : vector<1x16xf32> to vector<16xf32>
      %sub3A_362 = arith.subf %get3A_361, %get3A_19 : vector<16xf32>
      %add3A_363 = arith.constant 24 : i32
      %add3A_364 = arith.addi %mul3A_21, %add3A_363 : i32
      %swap3A_365 = arith.index_cast %add3A_364 : i32 to index
      %swap3A_366 = arith.constant 0 : index
      %swap3A_367 = tpu.vector_load %arg7[%swap3A_365, %swap3A_366] {strides = array<i32>} : memref<4096x16xf32, #tpu.memory_space<vmem>>, vector<1x16xf32>,
      %swap3A_368 = vector.shape_cast %swap3A_367 : vector<1x16xf32> to vector<16xf32>
      %swap3A_369 = vector.shape_cast %sub3A_362 : vector<16xf32> to vector<1x16xf32>
      tpu.vector_store %arg7[%swap3A_365, %swap3A_366], %swap3A_369 {strides = array<i32>} : memref<4096x16xf32, #tpu.memory_space<vmem>>, vector<1x16xf32>,
      %add3A_370 = arith.constant 25 : i32
      %add3A_371 = arith.addi %mul3A_21, %add3A_370 : i32
      %get3A_372 = arith.index_cast %add3A_371 : i32 to index
      %get3A_373 = arith.constant 0 : index
      %get3A_374 = tpu.vector_load %arg7[%get3A_372, %get3A_373] {strides = array<i32>} : memref<4096x16xf32, #tpu.memory_space<vmem>>, vector<1x16xf32>,
      %get3A_375 = vector.shape_cast %get3A_374 : vector<1x16xf32> to vector<16xf32>
      %sub3A_376 = arith.subf %get3A_375, %get3A_19 : vector<16xf32>
      %add3A_377 = arith.constant 25 : i32
      %add3A_378 = arith.addi %mul3A_21, %add3A_377 : i32
      %swap3A_379 = arith.index_cast %add3A_378 : i32 to index
      %swap3A_380 = arith.constant 0 : index
      %swap3A_381 = tpu.vector_load %arg7[%swap3A_379, %swap3A_380] {strides = array<i32>} : memref<4096x16xf32, #tpu.memory_space<vmem>>, vector<1x16xf32>,
      %swap3A_382 = vector.shape_cast %swap3A_381 : vector<1x16xf32> to vector<16xf32>
      %swap3A_383 = vector.shape_cast %sub3A_376 : vector<16xf32> to vector<1x16xf32>
      tpu.vector_store %arg7[%swap3A_379, %swap3A_380], %swap3A_383 {strides = array<i32>} : memref<4096x16xf32, #tpu.memory_space<vmem>>, vector<1x16xf32>,
      %add3A_384 = arith.constant 26 : i32
      %add3A_385 = arith.addi %mul3A_21, %add3A_384 : i32
      %get3A_386 = arith.index_cast %add3A_385 : i32 to index
      %get3A_387 = arith.constant 0 : index
      %get3A_388 = tpu.vector_load %arg7[%get3A_386, %get3A_387] {strides = array<i32>} : memref<4096x16xf32, #tpu.memory_space<vmem>>, vector<1x16xf32>,
      %get3A_389 = vector.shape_cast %get3A_388 : vector<1x16xf32> to vector<16xf32>
      %sub3A_390 = arith.subf %get3A_389, %get3A_19 : vector<16xf32>
      %add3A_391 = arith.constant 26 : i32
      %add3A_392 = arith.addi %mul3A_21, %add3A_391 : i32
      %swap3A_393 = arith.index_cast %add3A_392 : i32 to index
      %swap3A_394 = arith.constant 0 : index
      %swap3A_395 = tpu.vector_load %arg7[%swap3A_393, %swap3A_394] {strides = array<i32>} : memref<4096x16xf32, #tpu.memory_space<vmem>>, vector<1x16xf32>,
      %swap3A_396 = vector.shape_cast %swap3A_395 : vector<1x16xf32> to vector<16xf32>
      %swap3A_397 = vector.shape_cast %sub3A_390 : vector<16xf32> to vector<1x16xf32>
      tpu.vector_store %arg7[%swap3A_393, %swap3A_394], %swap3A_397 {strides = array<i32>} : memref<4096x16xf32, #tpu.memory_space<vmem>>, vector<1x16xf32>,
      %add3A_398 = arith.constant 27 : i32
      %add3A_399 = arith.addi %mul3A_21, %add3A_398 : i32
      %get3A_400 = arith.index_cast %add3A_399 : i32 to index
      %get3A_401 = arith.constant 0 : index
      %get3A_402 = tpu.vector_load %arg7[%get3A_400, %get3A_401] {strides = array<i32>} : memref<4096x16xf32, #tpu.memory_space<vmem>>, vector<1x16xf32>,
      %get3A_403 = vector.shape_cast %get3A_402 : vector<1x16xf32> to vector<16xf32>
      %sub3A_404 = arith.subf %get3A_403, %get3A_19 : vector<16xf32>
      %add3A_405 = arith.constant 27 : i32
      %add3A_406 = arith.addi %mul3A_21, %add3A_405 : i32
      %swap3A_407 = arith.index_cast %add3A_406 : i32 to index
      %swap3A_408 = arith.constant 0 : index
      %swap3A_409 = tpu.vector_load %arg7[%swap3A_407, %swap3A_408] {strides = array<i32>} : memref<4096x16xf32, #tpu.memory_space<vmem>>, vector<1x16xf32>,
      %swap3A_410 = vector.shape_cast %swap3A_409 : vector<1x16xf32> to vector<16xf32>
      %swap3A_411 = vector.shape_cast %sub3A_404 : vector<16xf32> to vector<1x16xf32>
      tpu.vector_store %arg7[%swap3A_407, %swap3A_408], %swap3A_411 {strides = array<i32>} : memref<4096x16xf32, #tpu.memory_space<vmem>>, vector<1x16xf32>,
      %add3A_412 = arith.constant 28 : i32
      %add3A_413 = arith.addi %mul3A_21, %add3A_412 : i32
      %get3A_414 = arith.index_cast %add3A_413 : i32 to index
      %get3A_415 = arith.constant 0 : index
      %get3A_416 = tpu.vector_load %arg7[%get3A_414, %get3A_415] {strides = array<i32>} : memref<4096x16xf32, #tpu.memory_space<vmem>>, vector<1x16xf32>,
      %get3A_417 = vector.shape_cast %get3A_416 : vector<1x16xf32> to vector<16xf32>
      %sub3A_418 = arith.subf %get3A_417, %get3A_19 : vector<16xf32>
      %add3A_419 = arith.constant 28 : i32
      %add3A_420 = arith.addi %mul3A_21, %add3A_419 : i32
      %swap3A_421 = arith.index_cast %add3A_420 : i32 to index
      %swap3A_422 = arith.constant 0 : index
      %swap3A_423 = tpu.vector_load %arg7[%swap3A_421, %swap3A_422] {strides = array<i32>} : memref<4096x16xf32, #tpu.memory_space<vmem>>, vector<1x16xf32>,
      %swap3A_424 = vector.shape_cast %swap3A_423 : vector<1x16xf32> to vector<16xf32>
      %swap3A_425 = vector.shape_cast %sub3A_418 : vector<16xf32> to vector<1x16xf32>
      tpu.vector_store %arg7[%swap3A_421, %swap3A_422], %swap3A_425 {strides = array<i32>} : memref<4096x16xf32, #tpu.memory_space<vmem>>, vector<1x16xf32>,
      %add3A_426 = arith.constant 29 : i32
      %add3A_427 = arith.addi %mul3A_21, %add3A_426 : i32
      %get3A_428 = arith.index_cast %add3A_427 : i32 to index
      %get3A_429 = arith.constant 0 : index
      %get3A_430 = tpu.vector_load %arg7[%get3A_428, %get3A_429] {strides = array<i32>} : memref<4096x16xf32, #tpu.memory_space<vmem>>, vector<1x16xf32>,
      %get3A_431 = vector.shape_cast %get3A_430 : vector<1x16xf32> to vector<16xf32>
      %sub3A_432 = arith.subf %get3A_431, %get3A_19 : vector<16xf32>
      %add3A_433 = arith.constant 29 : i32
      %add3A_434 = arith.addi %mul3A_21, %add3A_433 : i32
      %swap3A_435 = arith.index_cast %add3A_434 : i32 to index
      %swap3A_436 = arith.constant 0 : index
      %swap3A_437 = tpu.vector_load %arg7[%swap3A_435, %swap3A_436] {strides = array<i32>} : memref<4096x16xf32, #tpu.memory_space<vmem>>, vector<1x16xf32>,
      %swap3A_438 = vector.shape_cast %swap3A_437 : vector<1x16xf32> to vector<16xf32>
      %swap3A_439 = vector.shape_cast %sub3A_432 : vector<16xf32> to vector<1x16xf32>
      tpu.vector_store %arg7[%swap3A_435, %swap3A_436], %swap3A_439 {strides = array<i32>} : memref<4096x16xf32, #tpu.memory_space<vmem>>, vector<1x16xf32>,
      %add3A_440 = arith.constant 30 : i32
      %add3A_441 = arith.addi %mul3A_21, %add3A_440 : i32
      %get3A_442 = arith.index_cast %add3A_441 : i32 to index
      %get3A_443 = arith.constant 0 : index
      %get3A_444 = tpu.vector_load %arg7[%get3A_442, %get3A_443] {strides = array<i32>} : memref<4096x16xf32, #tpu.memory_space<vmem>>, vector<1x16xf32>,
      %get3A_445 = vector.shape_cast %get3A_444 : vector<1x16xf32> to vector<16xf32>
      %sub3A_446 = arith.subf %get3A_445, %get3A_19 : vector<16xf32>
      %add3A_447 = arith.constant 30 : i32
      %add3A_448 = arith.addi %mul3A_21, %add3A_447 : i32
      %swap3A_449 = arith.index_cast %add3A_448 : i32 to index
      %swap3A_450 = arith.constant 0 : index
      %swap3A_451 = tpu.vector_load %arg7[%swap3A_449, %swap3A_450] {strides = array<i32>} : memref<4096x16xf32, #tpu.memory_space<vmem>>, vector<1x16xf32>,
      %swap3A_452 = vector.shape_cast %swap3A_451 : vector<1x16xf32> to vector<16xf32>
      %swap3A_453 = vector.shape_cast %sub3A_446 : vector<16xf32> to vector<1x16xf32>
      tpu.vector_store %arg7[%swap3A_449, %swap3A_450], %swap3A_453 {strides = array<i32>} : memref<4096x16xf32, #tpu.memory_space<vmem>>, vector<1x16xf32>,
      %add3A_454 = arith.constant 31 : i32
      %add3A_455 = arith.addi %mul3A_21, %add3A_454 : i32
      %get3A_456 = arith.index_cast %add3A_455 : i32 to index
      %get3A_457 = arith.constant 0 : index
      %get3A_458 = tpu.vector_load %arg7[%get3A_456, %get3A_457] {strides = array<i32>} : memref<4096x16xf32, #tpu.memory_space<vmem>>, vector<1x16xf32>,
      %get3A_459 = vector.shape_cast %get3A_458 : vector<1x16xf32> to vector<16xf32>
      %sub3A_460 = arith.subf %get3A_459, %get3A_19 : vector<16xf32>
      %add3A_461 = arith.constant 31 : i32
      %add3A_462 = arith.addi %mul3A_21, %add3A_461 : i32
      %swap3A_463 = arith.index_cast %add3A_462 : i32 to index
      %swap3A_464 = arith.constant 0 : index
      %swap3A_465 = tpu.vector_load %arg7[%swap3A_463, %swap3A_464] {strides = array<i32>} : memref<4096x16xf32, #tpu.memory_space<vmem>>, vector<1x16xf32>,
      %swap3A_466 = vector.shape_cast %swap3A_465 : vector<1x16xf32> to vector<16xf32>
      %swap3A_467 = vector.shape_cast %sub3A_460 : vector<16xf32> to vector<1x16xf32>
      tpu.vector_store %arg7[%swap3A_463, %swap3A_464], %swap3A_467 {strides = array<i32>} : memref<4096x16xf32, #tpu.memory_space<vmem>>, vector<1x16xf32>,
      %scan3A_468 = arith.constant 0 : i32
      scf.yield %scan3A_468 : i32
    }
    %scan3A_14 = arith.constant 128 : i32
    "tpu.region"() ({
      %run_scoped3A = tpu.sem_alloc : memref<!tpu.dma_semaphore, #tpu.memory_space<semaphore_mem>>
      %dma_start3A_15 = arith.constant 0 : i32
      %dma_start3A_16 = tpu.memref_slice %arg5[%mul3A_2, %dma_start3A_15] : memref<131072x16xf32, #tpu.memory_space<hbm>> -> memref<4096x16xf32, #tpu.memory_space<hbm>>
      %dma_start3A_17 = arith.constant 0 : i32
      %dma_start3A_18 = tpu.memref_slice %arg5[%mul3A_2, %dma_start3A_17] : memref<131072x16xf32, #tpu.memory_space<hbm>> -> memref<4096x16xf32, #tpu.memory_space<hbm>>
      tpu.enqueue_dma source(%arg7 : memref<4096x16xf32, #tpu.memory_space<vmem>>) target(%dma_start3A_18 : memref<4096x16xf32, #tpu.memory_space<hbm>>) target_semaphore(%run_scoped3A : memref<!tpu.dma_semaphore, #tpu.memory_space<semaphore_mem>>)
      %dma_wait3A_19 = arith.constant 0 : i32
      %dma_wait3A_20 = tpu.memref_slice %arg5[%mul3A_2, %dma_wait3A_19] : memref<131072x16xf32, #tpu.memory_space<hbm>> -> memref<4096x16xf32, #tpu.memory_space<hbm>>
      %dma_wait3A_21 = arith.constant 0 : i32
      %dma_wait3A_22 = tpu.memref_slice %arg5[%mul3A_2, %dma_wait3A_21] : memref<131072x16xf32, #tpu.memory_space<hbm>> -> memref<4096x16xf32, #tpu.memory_space<hbm>>
      tpu.wait_dma2 semaphore(%run_scoped3A : memref<!tpu.dma_semaphore, #tpu.memory_space<semaphore_mem>>) src(%arg7 : memref<4096x16xf32, #tpu.memory_space<vmem>>) dst(%dma_wait3A_22 : memref<4096x16xf32, #tpu.memory_space<hbm>>)
      tpu.yield
    }) : () -> ()
    return
  }
}

module attributes {stable_mosaic.version = 14 : i64} {
  func.func @_fps_body(%arg0: memref<8x8192xf32, #tpu.memory_space<vmem>>, %arg1: memref<8x8192xf32, #tpu.memory_space<vmem>>, %arg2: memref<8x8192xf32, #tpu.memory_space<vmem>>, %arg3: memref<8x512xf32, #tpu.memory_space<vmem>>, %arg4: memref<8x512xf32, #tpu.memory_space<vmem>>, %arg5: memref<8x512xf32, #tpu.memory_space<vmem>>, %arg6: memref<8x8192xf32, #tpu.memory_space<vmem>>) attributes {dimension_semantics = [], scalar_prefetch = 0 : i64, scratch_operands = 1 : i64, tpu.core_type = #tpu.core_type<tc>} {
    %get3A = arith.constant 0 : index
    %get3A_0 = arith.constant 0 : index
    %get3A_1 = vector.load %arg0[%get3A, %get3A_0] : memref<8x8192xf32, #tpu.memory_space<vmem>>, vector<8x8192xf32>
    %get3A_2 = arith.constant 0 : index
    %get3A_3 = arith.constant 0 : index
    %get3A_4 = vector.load %arg1[%get3A_2, %get3A_3] : memref<8x8192xf32, #tpu.memory_space<vmem>>, vector<8x8192xf32>
    %get3A_5 = arith.constant 0 : index
    %get3A_6 = arith.constant 0 : index
    %get3A_7 = vector.load %arg2[%get3A_5, %get3A_6] : memref<8x8192xf32, #tpu.memory_space<vmem>>, vector<8x8192xf32>
    %iota3A = tpu.iota {dimensions = array<i32: 1>} : vector<8x8192xi32>
    %convert_element_type3A = arith.sitofp %iota3A : vector<8x8192xi32> to vector<8x8192xf32>
    %iota3A_8 = tpu.iota {dimensions = array<i32: 1>} : vector<8x512xi32>
    %broadcast_in_dim3A = arith.constant 0x7F800000 : f32
    %broadcast_in_dim3A_9 = vector.broadcast %broadcast_in_dim3A : f32 to vector<8x8192xf32>
    %swap3A = arith.constant 0 : index
    %swap3A_10 = arith.constant 0 : index
    %swap3A_11 = vector.load %arg6[%swap3A, %swap3A_10] : memref<8x8192xf32, #tpu.memory_space<vmem>>, vector<8x8192xf32>
    tpu.vector_store %arg6[%swap3A, %swap3A_10], %broadcast_in_dim3A_9 {strides = array<i32>} : memref<8x8192xf32, #tpu.memory_space<vmem>>, vector<8x8192xf32>,
    %slice3A = vector.extract_strided_slice %get3A_1 {offsets = [0, 0], sizes = [8, 1], strides = [1, 1]} : vector<8x8192xf32> to vector<8x1xf32>
    %slice3A_12 = vector.extract_strided_slice %get3A_4 {offsets = [0, 0], sizes = [8, 1], strides = [1, 1]} : vector<8x8192xf32> to vector<8x1xf32>
    %slice3A_13 = vector.extract_strided_slice %get3A_7 {offsets = [0, 0], sizes = [8, 1], strides = [1, 1]} : vector<8x8192xf32> to vector<8x1xf32>
    %eq3A = arith.constant 0 : i32
    %eq3A_14 = vector.broadcast %eq3A : i32 to vector<8x512xi32>
    %eq3A_15 = arith.cmpi eq, %iota3A_8, %eq3A_14 : vector<8x512xi32>
    %jit3A = arith.constant 0.000000e+00 : f32
    %broadcast_in_dim3A_16 = vector.shape_cast %slice3A : vector<8x1xf32> to vector<8x1xf32>
    %broadcast_in_dim3A_17 = vector.broadcast %broadcast_in_dim3A_16 : vector<8x1xf32> to vector<8x512xf32>
    %broadcast_in_dim3A_18 = vector.broadcast %jit3A : f32 to vector<8x512xf32>
    %select_n3A = arith.select %eq3A_15, %broadcast_in_dim3A_17, %broadcast_in_dim3A_18 : vector<8x512xi1>, vector<8x512xf32>
    %eq3A_19 = arith.constant 0 : i32
    %eq3A_20 = vector.broadcast %eq3A_19 : i32 to vector<8x512xi32>
    %eq3A_21 = arith.cmpi eq, %iota3A_8, %eq3A_20 : vector<8x512xi32>
    %jit3A_22 = arith.constant 0.000000e+00 : f32
    %broadcast_in_dim3A_23 = vector.shape_cast %slice3A_12 : vector<8x1xf32> to vector<8x1xf32>
    %broadcast_in_dim3A_24 = vector.broadcast %broadcast_in_dim3A_23 : vector<8x1xf32> to vector<8x512xf32>
    %broadcast_in_dim3A_25 = vector.broadcast %jit3A_22 : f32 to vector<8x512xf32>
    %select_n3A_26 = arith.select %eq3A_21, %broadcast_in_dim3A_24, %broadcast_in_dim3A_25 : vector<8x512xi1>, vector<8x512xf32>
    %eq3A_27 = arith.constant 0 : i32
    %eq3A_28 = vector.broadcast %eq3A_27 : i32 to vector<8x512xi32>
    %eq3A_29 = arith.cmpi eq, %iota3A_8, %eq3A_28 : vector<8x512xi32>
    %jit3A_30 = arith.constant 0.000000e+00 : f32
    %broadcast_in_dim3A_31 = vector.shape_cast %slice3A_13 : vector<8x1xf32> to vector<8x1xf32>
    %broadcast_in_dim3A_32 = vector.broadcast %broadcast_in_dim3A_31 : vector<8x1xf32> to vector<8x512xf32>
    %broadcast_in_dim3A_33 = vector.broadcast %jit3A_30 : f32 to vector<8x512xf32>
    %select_n3A_34 = arith.select %eq3A_29, %broadcast_in_dim3A_32, %broadcast_in_dim3A_33 : vector<8x512xi1>, vector<8x512xf32>
    %scan3A = arith.constant 1.638400e+04 : f32
    %scan3A_35 = arith.constant 1 : i32
    %scan3A_36 = arith.constant 511 : i32
    %scan3A_37 = arith.addi %scan3A_35, %scan3A_36 : i32
    %scan3A_38 = arith.constant 1 : i32
    %scan3A_39:6 = scf.for %scan3A_50 = %scan3A_35 to %scan3A_37 step %scan3A_38 iter_args(%scan3A_51 = %slice3A, %scan3A_52 = %slice3A_12, %scan3A_53 = %slice3A_13, %scan3A_54 = %select_n3A, %scan3A_55 = %select_n3A_26, %scan3A_56 = %select_n3A_34) -> (vector<8x1xf32>, vector<8x1xf32>, vector<8x1xf32>, vector<8x512xf32>, vector<8x512xf32>, vector<8x512xf32>)  : i32 {
      %sub3A = vector.broadcast %scan3A_51 : vector<8x1xf32> to vector<8x8192xf32>
      %sub3A_57 = arith.subf %get3A_1, %sub3A : vector<8x8192xf32>
      %sub3A_58 = vector.broadcast %scan3A_52 : vector<8x1xf32> to vector<8x8192xf32>
      %sub3A_59 = arith.subf %get3A_4, %sub3A_58 : vector<8x8192xf32>
      %sub3A_60 = vector.broadcast %scan3A_53 : vector<8x1xf32> to vector<8x8192xf32>
      %sub3A_61 = arith.subf %get3A_7, %sub3A_60 : vector<8x8192xf32>
      %mul3A = arith.mulf %sub3A_57, %sub3A_57 : vector<8x8192xf32>
      %mul3A_62 = arith.mulf %sub3A_59, %sub3A_59 : vector<8x8192xf32>
      %add3A = arith.addf %mul3A, %mul3A_62 : vector<8x8192xf32>
      %mul3A_63 = arith.mulf %sub3A_61, %sub3A_61 : vector<8x8192xf32>
      %add3A_64 = arith.addf %add3A, %mul3A_63 : vector<8x8192xf32>
      %get3A_65 = arith.constant 0 : index
      %get3A_66 = arith.constant 0 : index
      %get3A_67 = vector.load %arg6[%get3A_65, %get3A_66] : memref<8x8192xf32, #tpu.memory_space<vmem>>, vector<8x8192xf32>
      %min3A = arith.minimumf %get3A_67, %add3A_64 : vector<8x8192xf32>
      %swap3A_68 = arith.constant 0 : index
      %swap3A_69 = arith.constant 0 : index
      %swap3A_70 = vector.load %arg6[%swap3A_68, %swap3A_69] : memref<8x8192xf32, #tpu.memory_space<vmem>>, vector<8x8192xf32>
      tpu.vector_store %arg6[%swap3A_68, %swap3A_69], %min3A {strides = array<i32>} : memref<8x8192xf32, #tpu.memory_space<vmem>>, vector<8x8192xf32>,
      %reduce_max3A = arith.constant dense<0xFF800000> : vector<8xf32>
      %reduce_max3A_71 = vector.multi_reduction <maximumf>, %min3A, %reduce_max3A [1] : vector<8x8192xf32> to vector<8xf32>
      %broadcast_in_dim3A_72 = vector.shape_cast %reduce_max3A_71 : vector<8xf32> to vector<8x1xf32>
      %eq3A_73 = vector.broadcast %broadcast_in_dim3A_72 : vector<8x1xf32> to vector<8x8192xf32>
      %eq3A_74 = arith.cmpf oeq, %min3A, %eq3A_73 : vector<8x8192xf32>
      %broadcast_in_dim3A_75 = vector.broadcast %scan3A : f32 to vector<8x8192xf32>
      %select_n3A_76 = arith.select %eq3A_74, %convert_element_type3A, %broadcast_in_dim3A_75 : vector<8x8192xi1>, vector<8x8192xf32>
      %reduce_min3A = arith.constant dense<0x7F800000> : vector<8xf32>
      %reduce_min3A_77 = vector.multi_reduction <minimumf>, %select_n3A_76, %reduce_min3A [1] : vector<8x8192xf32> to vector<8xf32>
      %broadcast_in_dim3A_78 = vector.shape_cast %reduce_min3A_77 : vector<8xf32> to vector<8x1xf32>
      %eq3A_79 = vector.broadcast %broadcast_in_dim3A_78 : vector<8x1xf32> to vector<8x8192xf32>
      %eq3A_80 = arith.cmpf oeq, %convert_element_type3A, %eq3A_79 : vector<8x8192xf32>
      %jit3A_81 = arith.constant 0.000000e+00 : f32
      %broadcast_in_dim3A_82 = vector.broadcast %jit3A_81 : f32 to vector<8x8192xf32>
      %select_n3A_83 = arith.select %eq3A_80, %get3A_1, %broadcast_in_dim3A_82 : vector<8x8192xi1>, vector<8x8192xf32>
      %reduce_sum3A = arith.constant dense<0.000000e+00> : vector<8xf32>
      %reduce_sum3A_84 = vector.multi_reduction <add>, %select_n3A_83, %reduce_sum3A [1] : vector<8x8192xf32> to vector<8xf32>
      %broadcast_in_dim3A_85 = vector.shape_cast %reduce_sum3A_84 : vector<8xf32> to vector<8x1xf32>
      %jit3A_86 = arith.constant 0.000000e+00 : f32
      %broadcast_in_dim3A_87 = vector.broadcast %jit3A_86 : f32 to vector<8x8192xf32>
      %select_n3A_88 = arith.select %eq3A_80, %get3A_4, %broadcast_in_dim3A_87 : vector<8x8192xi1>, vector<8x8192xf32>
      %reduce_sum3A_89 = arith.constant dense<0.000000e+00> : vector<8xf32>
      %reduce_sum3A_90 = vector.multi_reduction <add>, %select_n3A_88, %reduce_sum3A_89 [1] : vector<8x8192xf32> to vector<8xf32>
      %broadcast_in_dim3A_91 = vector.shape_cast %reduce_sum3A_90 : vector<8xf32> to vector<8x1xf32>
      %jit3A_92 = arith.constant 0.000000e+00 : f32
      %broadcast_in_dim3A_93 = vector.broadcast %jit3A_92 : f32 to vector<8x8192xf32>
      %select_n3A_94 = arith.select %eq3A_80, %get3A_7, %broadcast_in_dim3A_93 : vector<8x8192xi1>, vector<8x8192xf32>
      %reduce_sum3A_95 = arith.constant dense<0.000000e+00> : vector<8xf32>
      %reduce_sum3A_96 = vector.multi_reduction <add>, %select_n3A_94, %reduce_sum3A_95 [1] : vector<8x8192xf32> to vector<8xf32>
      %broadcast_in_dim3A_97 = vector.shape_cast %reduce_sum3A_96 : vector<8xf32> to vector<8x1xf32>
      %eq3A_98 = vector.broadcast %scan3A_50 : i32 to vector<8x512xi32>
      %eq3A_99 = arith.cmpi eq, %iota3A_8, %eq3A_98 : vector<8x512xi32>
      %jit3A_100 = arith.constant 0.000000e+00 : f32
      %broadcast_in_dim3A_101 = vector.shape_cast %broadcast_in_dim3A_85 : vector<8x1xf32> to vector<8x1xf32>
      %broadcast_in_dim3A_102 = vector.broadcast %broadcast_in_dim3A_101 : vector<8x1xf32> to vector<8x512xf32>
      %broadcast_in_dim3A_103 = vector.broadcast %jit3A_100 : f32 to vector<8x512xf32>
      %select_n3A_104 = arith.select %eq3A_99, %broadcast_in_dim3A_102, %broadcast_in_dim3A_103 : vector<8x512xi1>, vector<8x512xf32>
      %add3A_105 = arith.addf %scan3A_54, %select_n3A_104 : vector<8x512xf32>
      %jit3A_106 = arith.constant 0.000000e+00 : f32
      %broadcast_in_dim3A_107 = vector.shape_cast %broadcast_in_dim3A_91 : vector<8x1xf32> to vector<8x1xf32>
      %broadcast_in_dim3A_108 = vector.broadcast %broadcast_in_dim3A_107 : vector<8x1xf32> to vector<8x512xf32>
      %broadcast_in_dim3A_109 = vector.broadcast %jit3A_106 : f32 to vector<8x512xf32>
      %select_n3A_110 = arith.select %eq3A_99, %broadcast_in_dim3A_108, %broadcast_in_dim3A_109 : vector<8x512xi1>, vector<8x512xf32>
      %add3A_111 = arith.addf %scan3A_55, %select_n3A_110 : vector<8x512xf32>
      %jit3A_112 = arith.constant 0.000000e+00 : f32
      %broadcast_in_dim3A_113 = vector.shape_cast %broadcast_in_dim3A_97 : vector<8x1xf32> to vector<8x1xf32>
      %broadcast_in_dim3A_114 = vector.broadcast %broadcast_in_dim3A_113 : vector<8x1xf32> to vector<8x512xf32>
      %broadcast_in_dim3A_115 = vector.broadcast %jit3A_112 : f32 to vector<8x512xf32>
      %select_n3A_116 = arith.select %eq3A_99, %broadcast_in_dim3A_114, %broadcast_in_dim3A_115 : vector<8x512xi1>, vector<8x512xf32>
      %add3A_117 = arith.addf %scan3A_56, %select_n3A_116 : vector<8x512xf32>
      scf.yield %broadcast_in_dim3A_85, %broadcast_in_dim3A_91, %broadcast_in_dim3A_97, %add3A_105, %add3A_111, %add3A_117 : vector<8x1xf32>, vector<8x1xf32>, vector<8x1xf32>, vector<8x512xf32>, vector<8x512xf32>, vector<8x512xf32>
    }
    %scan3A_40 = arith.constant 511 : i32
    %swap3A_41 = arith.constant 0 : index
    %swap3A_42 = arith.constant 0 : index
    %swap3A_43 = vector.load %arg3[%swap3A_41, %swap3A_42] : memref<8x512xf32, #tpu.memory_space<vmem>>, vector<8x512xf32>
    tpu.vector_store %arg3[%swap3A_41, %swap3A_42], %scan3A_39#3 {strides = array<i32>} : memref<8x512xf32, #tpu.memory_space<vmem>>, vector<8x512xf32>,
    %swap3A_44 = arith.constant 0 : index
    %swap3A_45 = arith.constant 0 : index
    %swap3A_46 = vector.load %arg4[%swap3A_44, %swap3A_45] : memref<8x512xf32, #tpu.memory_space<vmem>>, vector<8x512xf32>
    tpu.vector_store %arg4[%swap3A_44, %swap3A_45], %scan3A_39#4 {strides = array<i32>} : memref<8x512xf32, #tpu.memory_space<vmem>>, vector<8x512xf32>,
    %swap3A_47 = arith.constant 0 : index
    %swap3A_48 = arith.constant 0 : index
    %swap3A_49 = vector.load %arg5[%swap3A_47, %swap3A_48] : memref<8x512xf32, #tpu.memory_space<vmem>>, vector<8x512xf32>
    tpu.vector_store %arg5[%swap3A_47, %swap3A_48], %scan3A_39#5 {strides = array<i32>} : memref<8x512xf32, #tpu.memory_space<vmem>>, vector<8x512xf32>,
    return
  }
}

module attributes {stable_mosaic.version = 14 : i64} {
  func.func @_knn_body(%arg0: i32, %arg1: i32, %arg2: memref<1x1x8192xf32, #tpu.memory_space<vmem>>, %arg3: memref<1x1x8192xf32, #tpu.memory_space<vmem>>, %arg4: memref<1x1x8192xf32, #tpu.memory_space<vmem>>, %arg5: memref<1x256x3xf32, #tpu.memory_space<vmem>>, %arg6: memref<1x256x32xi32, #tpu.memory_space<vmem>>, %arg7: memref<256x8192xf32, #tpu.memory_space<vmem>>) attributes {dimension_semantics = [#tpu.dimension_semantics<arbitrary>, #tpu.dimension_semantics<arbitrary>], iteration_bounds = array<i64: 8, 2>, scalar_prefetch = 0 : i64, scratch_operands = 1 : i64, tpu.core_type = #tpu.core_type<tc>, window_params = [{transform_indices = @transform_0, window_bounds = array<i64: 1, 1, 8192>}, {transform_indices = @transform_1, window_bounds = array<i64: 1, 1, 8192>}, {transform_indices = @transform_2, window_bounds = array<i64: 1, 1, 8192>}, {transform_indices = @transform_3, window_bounds = array<i64: 1, 256, 3>}, {transform_indices = @transform_4, window_bounds = array<i64: 1, 256, 32>}]} {
    %get3A = arith.constant 0 : index
    %get3A_0 = arith.constant 0 : index
    %get3A_1 = arith.constant 0 : index
    %get3A_2 = vector.load %arg2[%get3A, %get3A_0, %get3A_1] : memref<1x1x8192xf32, #tpu.memory_space<vmem>>, vector<1x1x8192xf32>
    %get3A_3 = vector.shape_cast %get3A_2 : vector<1x1x8192xf32> to vector<1x8192xf32>
    %get3A_4 = arith.constant 0 : index
    %get3A_5 = arith.constant 0 : index
    %get3A_6 = arith.constant 0 : index
    %get3A_7 = vector.load %arg3[%get3A_4, %get3A_5, %get3A_6] : memref<1x1x8192xf32, #tpu.memory_space<vmem>>, vector<1x1x8192xf32>
    %get3A_8 = vector.shape_cast %get3A_7 : vector<1x1x8192xf32> to vector<1x8192xf32>
    %get3A_9 = arith.constant 0 : index
    %get3A_10 = arith.constant 0 : index
    %get3A_11 = arith.constant 0 : index
    %get3A_12 = vector.load %arg4[%get3A_9, %get3A_10, %get3A_11] : memref<1x1x8192xf32, #tpu.memory_space<vmem>>, vector<1x1x8192xf32>
    %get3A_13 = vector.shape_cast %get3A_12 : vector<1x1x8192xf32> to vector<1x8192xf32>
    %get3A_14 = arith.constant 0 : index
    %get3A_15 = arith.constant 0 : index
    %get3A_16 = arith.constant 0 : index
    %get3A_17 = vector.load %arg5[%get3A_14, %get3A_15, %get3A_16] : memref<1x256x3xf32, #tpu.memory_space<vmem>>, vector<1x256x3xf32>
    %get3A_18 = vector.shape_cast %get3A_17 : vector<1x256x3xf32> to vector<256x3xf32>
    %slice3A = vector.extract_strided_slice %get3A_18 {offsets = [0, 0], sizes = [256, 1], strides = [1, 1]} : vector<256x3xf32> to vector<256x1xf32>
    %sub3A = vector.broadcast %slice3A : vector<256x1xf32> to vector<256x8192xf32>
    %sub3A_19 = vector.broadcast %get3A_3 : vector<1x8192xf32> to vector<256x8192xf32>
    %sub3A_20 = arith.subf %sub3A, %sub3A_19 : vector<256x8192xf32>
    %slice3A_21 = vector.extract_strided_slice %get3A_18 {offsets = [0, 1], sizes = [256, 1], strides = [1, 1]} : vector<256x3xf32> to vector<256x1xf32>
    %sub3A_22 = vector.broadcast %slice3A_21 : vector<256x1xf32> to vector<256x8192xf32>
    %sub3A_23 = vector.broadcast %get3A_8 : vector<1x8192xf32> to vector<256x8192xf32>
    %sub3A_24 = arith.subf %sub3A_22, %sub3A_23 : vector<256x8192xf32>
    %slice3A_25 = vector.extract_strided_slice %get3A_18 {offsets = [0, 2], sizes = [256, 1], strides = [1, 1]} : vector<256x3xf32> to vector<256x1xf32>
    %sub3A_26 = vector.broadcast %slice3A_25 : vector<256x1xf32> to vector<256x8192xf32>
    %sub3A_27 = vector.broadcast %get3A_13 : vector<1x8192xf32> to vector<256x8192xf32>
    %sub3A_28 = arith.subf %sub3A_26, %sub3A_27 : vector<256x8192xf32>
    %mul3A = arith.mulf %sub3A_20, %sub3A_20 : vector<256x8192xf32>
    %mul3A_29 = arith.mulf %sub3A_24, %sub3A_24 : vector<256x8192xf32>
    %add3A = arith.addf %mul3A, %mul3A_29 : vector<256x8192xf32>
    %mul3A_30 = arith.mulf %sub3A_28, %sub3A_28 : vector<256x8192xf32>
    %add3A_31 = arith.addf %add3A, %mul3A_30 : vector<256x8192xf32>
    %swap3A = arith.constant 0 : index
    %swap3A_32 = arith.constant 0 : index
    %swap3A_33 = vector.load %arg7[%swap3A, %swap3A_32] : memref<256x8192xf32, #tpu.memory_space<vmem>>, vector<256x8192xf32>
    tpu.vector_store %arg7[%swap3A, %swap3A_32], %add3A_31 {strides = array<i32>} : memref<256x8192xf32, #tpu.memory_space<vmem>>, vector<256x8192xf32>,
    %iota3A = tpu.iota {dimensions = array<i32: 1>} : vector<256x8192xi32>
    %convert_element_type3A = arith.sitofp %iota3A : vector<256x8192xi32> to vector<256x8192xf32>
    %iota3A_34 = tpu.iota {dimensions = array<i32: 1>} : vector<256x32xi32>
    %reduce_min3A = arith.constant dense<0x7F800000> : vector<256xf32>
    %reduce_min3A_35 = vector.multi_reduction <minimumf>, %add3A_31, %reduce_min3A [1] : vector<256x8192xf32> to vector<256xf32>
    %broadcast_in_dim3A = vector.shape_cast %reduce_min3A_35 : vector<256xf32> to vector<256x1xf32>
    %broadcast_in_dim3A_36 = arith.constant 0 : i32
    %broadcast_in_dim3A_37 = vector.broadcast %broadcast_in_dim3A_36 : i32 to vector<256x32xi32>
    %scan3A = arith.constant 1.638400e+04 : f32
    %scan3A_38 = arith.constant 0 : i32
    %scan3A_39 = arith.constant 4 : i32
    %scan3A_40 = arith.addi %scan3A_38, %scan3A_39 : i32
    %scan3A_41 = arith.constant 1 : i32
    %scan3A_42:2 = scf.for %scan3A_50 = %scan3A_38 to %scan3A_40 step %scan3A_41 iter_args(%scan3A_51 = %broadcast_in_dim3A_37, %scan3A_52 = %broadcast_in_dim3A) -> (vector<256x32xi32>, vector<256x1xf32>)  : i32 {
      %get3A_53 = arith.constant 0 : index
      %get3A_54 = arith.constant 0 : index
      %get3A_55 = vector.load %arg7[%get3A_53, %get3A_54] : memref<256x8192xf32, #tpu.memory_space<vmem>>, vector<256x8192xf32>
      %eq3A = vector.broadcast %scan3A_52 : vector<256x1xf32> to vector<256x8192xf32>
      %eq3A_56 = arith.cmpf oeq, %get3A_55, %eq3A : vector<256x8192xf32>
      %broadcast_in_dim3A_57 = vector.broadcast %scan3A : f32 to vector<256x8192xf32>
      %select_n3A = arith.select %eq3A_56, %convert_element_type3A, %broadcast_in_dim3A_57 : vector<256x8192xi1>, vector<256x8192xf32>
      %reduce_min3A_58 = arith.constant dense<0x7F800000> : vector<256xf32>
      %reduce_min3A_59 = vector.multi_reduction <minimumf>, %select_n3A, %reduce_min3A_58 [1] : vector<256x8192xf32> to vector<256xf32>
      %broadcast_in_dim3A_60 = vector.shape_cast %reduce_min3A_59 : vector<256xf32> to vector<256x1xf32>
      %eq3A_61 = vector.broadcast %broadcast_in_dim3A_60 : vector<256x1xf32> to vector<256x8192xf32>
      %eq3A_62 = arith.cmpf oeq, %convert_element_type3A, %eq3A_61 : vector<256x8192xf32>
      %jit3A = arith.constant 0x7F800000 : f32
      %broadcast_in_dim3A_63 = vector.broadcast %jit3A : f32 to vector<256x8192xf32>
      %select_n3A_64 = arith.select %eq3A_62, %broadcast_in_dim3A_63, %get3A_55 : vector<256x8192xi1>, vector<256x8192xf32>
      %reduce_min3A_65 = arith.constant dense<0x7F800000> : vector<256xf32>
      %reduce_min3A_66 = vector.multi_reduction <minimumf>, %select_n3A_64, %reduce_min3A_65 [1] : vector<256x8192xf32> to vector<256xf32>
      %broadcast_in_dim3A_67 = vector.shape_cast %reduce_min3A_66 : vector<256xf32> to vector<256x1xf32>
      %mul3A_68 = arith.constant 8 : i32
      %mul3A_69 = arith.muli %mul3A_68, %scan3A_50 : i32
      %add3A_70 = arith.constant 0 : i32
      %add3A_71 = arith.addi %mul3A_69, %add3A_70 : i32
      %eq3A_72 = vector.broadcast %add3A_71 : i32 to vector<256x32xi32>
      %eq3A_73 = arith.cmpi eq, %iota3A_34, %eq3A_72 : vector<256x32xi32>
      %convert_element_type3A_74 = arith.fptosi %broadcast_in_dim3A_60 : vector<256x1xf32> to vector<256x1xi32>
      %jit3A_75 = arith.constant 0 : i32
      %broadcast_in_dim3A_76 = vector.shape_cast %convert_element_type3A_74 : vector<256x1xi32> to vector<256x1xi32>
      %broadcast_in_dim3A_77 = vector.broadcast %broadcast_in_dim3A_76 : vector<256x1xi32> to vector<256x32xi32>
      %broadcast_in_dim3A_78 = vector.broadcast %jit3A_75 : i32 to vector<256x32xi32>
      %select_n3A_79 = arith.select %eq3A_73, %broadcast_in_dim3A_77, %broadcast_in_dim3A_78 : vector<256x32xi1>, vector<256x32xi32>
      %add3A_80 = arith.addi %scan3A_51, %select_n3A_79 : vector<256x32xi32>
      %eq3A_81 = vector.broadcast %broadcast_in_dim3A_67 : vector<256x1xf32> to vector<256x8192xf32>
      %eq3A_82 = arith.cmpf oeq, %select_n3A_64, %eq3A_81 : vector<256x8192xf32>
      %broadcast_in_dim3A_83 = vector.broadcast %scan3A : f32 to vector<256x8192xf32>
      %select_n3A_84 = arith.select %eq3A_82, %convert_element_type3A, %broadcast_in_dim3A_83 : vector<256x8192xi1>, vector<256x8192xf32>
      %reduce_min3A_85 = arith.constant dense<0x7F800000> : vector<256xf32>
      %reduce_min3A_86 = vector.multi_reduction <minimumf>, %select_n3A_84, %reduce_min3A_85 [1] : vector<256x8192xf32> to vector<256xf32>
      %broadcast_in_dim3A_87 = vector.shape_cast %reduce_min3A_86 : vector<256xf32> to vector<256x1xf32>
      %eq3A_88 = vector.broadcast %broadcast_in_dim3A_87 : vector<256x1xf32> to vector<256x8192xf32>
      %eq3A_89 = arith.cmpf oeq, %convert_element_type3A, %eq3A_88 : vector<256x8192xf32>
      %jit3A_90 = arith.constant 0x7F800000 : f32
      %broadcast_in_dim3A_91 = vector.broadcast %jit3A_90 : f32 to vector<256x8192xf32>
      %select_n3A_92 = arith.select %eq3A_89, %broadcast_in_dim3A_91, %select_n3A_64 : vector<256x8192xi1>, vector<256x8192xf32>
      %reduce_min3A_93 = arith.constant dense<0x7F800000> : vector<256xf32>
      %reduce_min3A_94 = vector.multi_reduction <minimumf>, %select_n3A_92, %reduce_min3A_93 [1] : vector<256x8192xf32> to vector<256xf32>
      %broadcast_in_dim3A_95 = vector.shape_cast %reduce_min3A_94 : vector<256xf32> to vector<256x1xf32>
      %mul3A_96 = arith.constant 8 : i32
      %mul3A_97 = arith.muli %mul3A_96, %scan3A_50 : i32
      %add3A_98 = arith.constant 1 : i32
      %add3A_99 = arith.addi %mul3A_97, %add3A_98 : i32
      %eq3A_100 = vector.broadcast %add3A_99 : i32 to vector<256x32xi32>
      %eq3A_101 = arith.cmpi eq, %iota3A_34, %eq3A_100 : vector<256x32xi32>
      %convert_element_type3A_102 = arith.fptosi %broadcast_in_dim3A_87 : vector<256x1xf32> to vector<256x1xi32>
      %jit3A_103 = arith.constant 0 : i32
      %broadcast_in_dim3A_104 = vector.shape_cast %convert_element_type3A_102 : vector<256x1xi32> to vector<256x1xi32>
      %broadcast_in_dim3A_105 = vector.broadcast %broadcast_in_dim3A_104 : vector<256x1xi32> to vector<256x32xi32>
      %broadcast_in_dim3A_106 = vector.broadcast %jit3A_103 : i32 to vector<256x32xi32>
      %select_n3A_107 = arith.select %eq3A_101, %broadcast_in_dim3A_105, %broadcast_in_dim3A_106 : vector<256x32xi1>, vector<256x32xi32>
      %add3A_108 = arith.addi %add3A_80, %select_n3A_107 : vector<256x32xi32>
      %eq3A_109 = vector.broadcast %broadcast_in_dim3A_95 : vector<256x1xf32> to vector<256x8192xf32>
      %eq3A_110 = arith.cmpf oeq, %select_n3A_92, %eq3A_109 : vector<256x8192xf32>
      %broadcast_in_dim3A_111 = vector.broadcast %scan3A : f32 to vector<256x8192xf32>
      %select_n3A_112 = arith.select %eq3A_110, %convert_element_type3A, %broadcast_in_dim3A_111 : vector<256x8192xi1>, vector<256x8192xf32>
      %reduce_min3A_113 = arith.constant dense<0x7F800000> : vector<256xf32>
      %reduce_min3A_114 = vector.multi_reduction <minimumf>, %select_n3A_112, %reduce_min3A_113 [1] : vector<256x8192xf32> to vector<256xf32>
      %broadcast_in_dim3A_115 = vector.shape_cast %reduce_min3A_114 : vector<256xf32> to vector<256x1xf32>
      %eq3A_116 = vector.broadcast %broadcast_in_dim3A_115 : vector<256x1xf32> to vector<256x8192xf32>
      %eq3A_117 = arith.cmpf oeq, %convert_element_type3A, %eq3A_116 : vector<256x8192xf32>
      %jit3A_118 = arith.constant 0x7F800000 : f32
      %broadcast_in_dim3A_119 = vector.broadcast %jit3A_118 : f32 to vector<256x8192xf32>
      %select_n3A_120 = arith.select %eq3A_117, %broadcast_in_dim3A_119, %select_n3A_92 : vector<256x8192xi1>, vector<256x8192xf32>
      %reduce_min3A_121 = arith.constant dense<0x7F800000> : vector<256xf32>
      %reduce_min3A_122 = vector.multi_reduction <minimumf>, %select_n3A_120, %reduce_min3A_121 [1] : vector<256x8192xf32> to vector<256xf32>
      %broadcast_in_dim3A_123 = vector.shape_cast %reduce_min3A_122 : vector<256xf32> to vector<256x1xf32>
      %mul3A_124 = arith.constant 8 : i32
      %mul3A_125 = arith.muli %mul3A_124, %scan3A_50 : i32
      %add3A_126 = arith.constant 2 : i32
      %add3A_127 = arith.addi %mul3A_125, %add3A_126 : i32
      %eq3A_128 = vector.broadcast %add3A_127 : i32 to vector<256x32xi32>
      %eq3A_129 = arith.cmpi eq, %iota3A_34, %eq3A_128 : vector<256x32xi32>
      %convert_element_type3A_130 = arith.fptosi %broadcast_in_dim3A_115 : vector<256x1xf32> to vector<256x1xi32>
      %jit3A_131 = arith.constant 0 : i32
      %broadcast_in_dim3A_132 = vector.shape_cast %convert_element_type3A_130 : vector<256x1xi32> to vector<256x1xi32>
      %broadcast_in_dim3A_133 = vector.broadcast %broadcast_in_dim3A_132 : vector<256x1xi32> to vector<256x32xi32>
      %broadcast_in_dim3A_134 = vector.broadcast %jit3A_131 : i32 to vector<256x32xi32>
      %select_n3A_135 = arith.select %eq3A_129, %broadcast_in_dim3A_133, %broadcast_in_dim3A_134 : vector<256x32xi1>, vector<256x32xi32>
      %add3A_136 = arith.addi %add3A_108, %select_n3A_135 : vector<256x32xi32>
      %eq3A_137 = vector.broadcast %broadcast_in_dim3A_123 : vector<256x1xf32> to vector<256x8192xf32>
      %eq3A_138 = arith.cmpf oeq, %select_n3A_120, %eq3A_137 : vector<256x8192xf32>
      %broadcast_in_dim3A_139 = vector.broadcast %scan3A : f32 to vector<256x8192xf32>
      %select_n3A_140 = arith.select %eq3A_138, %convert_element_type3A, %broadcast_in_dim3A_139 : vector<256x8192xi1>, vector<256x8192xf32>
      %reduce_min3A_141 = arith.constant dense<0x7F800000> : vector<256xf32>
      %reduce_min3A_142 = vector.multi_reduction <minimumf>, %select_n3A_140, %reduce_min3A_141 [1] : vector<256x8192xf32> to vector<256xf32>
      %broadcast_in_dim3A_143 = vector.shape_cast %reduce_min3A_142 : vector<256xf32> to vector<256x1xf32>
      %eq3A_144 = vector.broadcast %broadcast_in_dim3A_143 : vector<256x1xf32> to vector<256x8192xf32>
      %eq3A_145 = arith.cmpf oeq, %convert_element_type3A, %eq3A_144 : vector<256x8192xf32>
      %jit3A_146 = arith.constant 0x7F800000 : f32
      %broadcast_in_dim3A_147 = vector.broadcast %jit3A_146 : f32 to vector<256x8192xf32>
      %select_n3A_148 = arith.select %eq3A_145, %broadcast_in_dim3A_147, %select_n3A_120 : vector<256x8192xi1>, vector<256x8192xf32>
      %reduce_min3A_149 = arith.constant dense<0x7F800000> : vector<256xf32>
      %reduce_min3A_150 = vector.multi_reduction <minimumf>, %select_n3A_148, %reduce_min3A_149 [1] : vector<256x8192xf32> to vector<256xf32>
      %broadcast_in_dim3A_151 = vector.shape_cast %reduce_min3A_150 : vector<256xf32> to vector<256x1xf32>
      %mul3A_152 = arith.constant 8 : i32
      %mul3A_153 = arith.muli %mul3A_152, %scan3A_50 : i32
      %add3A_154 = arith.constant 3 : i32
      %add3A_155 = arith.addi %mul3A_153, %add3A_154 : i32
      %eq3A_156 = vector.broadcast %add3A_155 : i32 to vector<256x32xi32>
      %eq3A_157 = arith.cmpi eq, %iota3A_34, %eq3A_156 : vector<256x32xi32>
      %convert_element_type3A_158 = arith.fptosi %broadcast_in_dim3A_143 : vector<256x1xf32> to vector<256x1xi32>
      %jit3A_159 = arith.constant 0 : i32
      %broadcast_in_dim3A_160 = vector.shape_cast %convert_element_type3A_158 : vector<256x1xi32> to vector<256x1xi32>
      %broadcast_in_dim3A_161 = vector.broadcast %broadcast_in_dim3A_160 : vector<256x1xi32> to vector<256x32xi32>
      %broadcast_in_dim3A_162 = vector.broadcast %jit3A_159 : i32 to vector<256x32xi32>
      %select_n3A_163 = arith.select %eq3A_157, %broadcast_in_dim3A_161, %broadcast_in_dim3A_162 : vector<256x32xi1>, vector<256x32xi32>
      %add3A_164 = arith.addi %add3A_136, %select_n3A_163 : vector<256x32xi32>
      %eq3A_165 = vector.broadcast %broadcast_in_dim3A_151 : vector<256x1xf32> to vector<256x8192xf32>
      %eq3A_166 = arith.cmpf oeq, %select_n3A_148, %eq3A_165 : vector<256x8192xf32>
      %broadcast_in_dim3A_167 = vector.broadcast %scan3A : f32 to vector<256x8192xf32>
      %select_n3A_168 = arith.select %eq3A_166, %convert_element_type3A, %broadcast_in_dim3A_167 : vector<256x8192xi1>, vector<256x8192xf32>
      %reduce_min3A_169 = arith.constant dense<0x7F800000> : vector<256xf32>
      %reduce_min3A_170 = vector.multi_reduction <minimumf>, %select_n3A_168, %reduce_min3A_169 [1] : vector<256x8192xf32> to vector<256xf32>
      %broadcast_in_dim3A_171 = vector.shape_cast %reduce_min3A_170 : vector<256xf32> to vector<256x1xf32>
      %eq3A_172 = vector.broadcast %broadcast_in_dim3A_171 : vector<256x1xf32> to vector<256x8192xf32>
      %eq3A_173 = arith.cmpf oeq, %convert_element_type3A, %eq3A_172 : vector<256x8192xf32>
      %jit3A_174 = arith.constant 0x7F800000 : f32
      %broadcast_in_dim3A_175 = vector.broadcast %jit3A_174 : f32 to vector<256x8192xf32>
      %select_n3A_176 = arith.select %eq3A_173, %broadcast_in_dim3A_175, %select_n3A_148 : vector<256x8192xi1>, vector<256x8192xf32>
      %reduce_min3A_177 = arith.constant dense<0x7F800000> : vector<256xf32>
      %reduce_min3A_178 = vector.multi_reduction <minimumf>, %select_n3A_176, %reduce_min3A_177 [1] : vector<256x8192xf32> to vector<256xf32>
      %broadcast_in_dim3A_179 = vector.shape_cast %reduce_min3A_178 : vector<256xf32> to vector<256x1xf32>
      %mul3A_180 = arith.constant 8 : i32
      %mul3A_181 = arith.muli %mul3A_180, %scan3A_50 : i32
      %add3A_182 = arith.constant 4 : i32
      %add3A_183 = arith.addi %mul3A_181, %add3A_182 : i32
      %eq3A_184 = vector.broadcast %add3A_183 : i32 to vector<256x32xi32>
      %eq3A_185 = arith.cmpi eq, %iota3A_34, %eq3A_184 : vector<256x32xi32>
      %convert_element_type3A_186 = arith.fptosi %broadcast_in_dim3A_171 : vector<256x1xf32> to vector<256x1xi32>
      %jit3A_187 = arith.constant 0 : i32
      %broadcast_in_dim3A_188 = vector.shape_cast %convert_element_type3A_186 : vector<256x1xi32> to vector<256x1xi32>
      %broadcast_in_dim3A_189 = vector.broadcast %broadcast_in_dim3A_188 : vector<256x1xi32> to vector<256x32xi32>
      %broadcast_in_dim3A_190 = vector.broadcast %jit3A_187 : i32 to vector<256x32xi32>
      %select_n3A_191 = arith.select %eq3A_185, %broadcast_in_dim3A_189, %broadcast_in_dim3A_190 : vector<256x32xi1>, vector<256x32xi32>
      %add3A_192 = arith.addi %add3A_164, %select_n3A_191 : vector<256x32xi32>
      %eq3A_193 = vector.broadcast %broadcast_in_dim3A_179 : vector<256x1xf32> to vector<256x8192xf32>
      %eq3A_194 = arith.cmpf oeq, %select_n3A_176, %eq3A_193 : vector<256x8192xf32>
      %broadcast_in_dim3A_195 = vector.broadcast %scan3A : f32 to vector<256x8192xf32>
      %select_n3A_196 = arith.select %eq3A_194, %convert_element_type3A, %broadcast_in_dim3A_195 : vector<256x8192xi1>, vector<256x8192xf32>
      %reduce_min3A_197 = arith.constant dense<0x7F800000> : vector<256xf32>
      %reduce_min3A_198 = vector.multi_reduction <minimumf>, %select_n3A_196, %reduce_min3A_197 [1] : vector<256x8192xf32> to vector<256xf32>
      %broadcast_in_dim3A_199 = vector.shape_cast %reduce_min3A_198 : vector<256xf32> to vector<256x1xf32>
      %eq3A_200 = vector.broadcast %broadcast_in_dim3A_199 : vector<256x1xf32> to vector<256x8192xf32>
      %eq3A_201 = arith.cmpf oeq, %convert_element_type3A, %eq3A_200 : vector<256x8192xf32>
      %jit3A_202 = arith.constant 0x7F800000 : f32
      %broadcast_in_dim3A_203 = vector.broadcast %jit3A_202 : f32 to vector<256x8192xf32>
      %select_n3A_204 = arith.select %eq3A_201, %broadcast_in_dim3A_203, %select_n3A_176 : vector<256x8192xi1>, vector<256x8192xf32>
      %reduce_min3A_205 = arith.constant dense<0x7F800000> : vector<256xf32>
      %reduce_min3A_206 = vector.multi_reduction <minimumf>, %select_n3A_204, %reduce_min3A_205 [1] : vector<256x8192xf32> to vector<256xf32>
      %broadcast_in_dim3A_207 = vector.shape_cast %reduce_min3A_206 : vector<256xf32> to vector<256x1xf32>
      %mul3A_208 = arith.constant 8 : i32
      %mul3A_209 = arith.muli %mul3A_208, %scan3A_50 : i32
      %add3A_210 = arith.constant 5 : i32
      %add3A_211 = arith.addi %mul3A_209, %add3A_210 : i32
      %eq3A_212 = vector.broadcast %add3A_211 : i32 to vector<256x32xi32>
      %eq3A_213 = arith.cmpi eq, %iota3A_34, %eq3A_212 : vector<256x32xi32>
      %convert_element_type3A_214 = arith.fptosi %broadcast_in_dim3A_199 : vector<256x1xf32> to vector<256x1xi32>
      %jit3A_215 = arith.constant 0 : i32
      %broadcast_in_dim3A_216 = vector.shape_cast %convert_element_type3A_214 : vector<256x1xi32> to vector<256x1xi32>
      %broadcast_in_dim3A_217 = vector.broadcast %broadcast_in_dim3A_216 : vector<256x1xi32> to vector<256x32xi32>
      %broadcast_in_dim3A_218 = vector.broadcast %jit3A_215 : i32 to vector<256x32xi32>
      %select_n3A_219 = arith.select %eq3A_213, %broadcast_in_dim3A_217, %broadcast_in_dim3A_218 : vector<256x32xi1>, vector<256x32xi32>
      %add3A_220 = arith.addi %add3A_192, %select_n3A_219 : vector<256x32xi32>
      %eq3A_221 = vector.broadcast %broadcast_in_dim3A_207 : vector<256x1xf32> to vector<256x8192xf32>
      %eq3A_222 = arith.cmpf oeq, %select_n3A_204, %eq3A_221 : vector<256x8192xf32>
      %broadcast_in_dim3A_223 = vector.broadcast %scan3A : f32 to vector<256x8192xf32>
      %select_n3A_224 = arith.select %eq3A_222, %convert_element_type3A, %broadcast_in_dim3A_223 : vector<256x8192xi1>, vector<256x8192xf32>
      %reduce_min3A_225 = arith.constant dense<0x7F800000> : vector<256xf32>
      %reduce_min3A_226 = vector.multi_reduction <minimumf>, %select_n3A_224, %reduce_min3A_225 [1] : vector<256x8192xf32> to vector<256xf32>
      %broadcast_in_dim3A_227 = vector.shape_cast %reduce_min3A_226 : vector<256xf32> to vector<256x1xf32>
      %eq3A_228 = vector.broadcast %broadcast_in_dim3A_227 : vector<256x1xf32> to vector<256x8192xf32>
      %eq3A_229 = arith.cmpf oeq, %convert_element_type3A, %eq3A_228 : vector<256x8192xf32>
      %jit3A_230 = arith.constant 0x7F800000 : f32
      %broadcast_in_dim3A_231 = vector.broadcast %jit3A_230 : f32 to vector<256x8192xf32>
      %select_n3A_232 = arith.select %eq3A_229, %broadcast_in_dim3A_231, %select_n3A_204 : vector<256x8192xi1>, vector<256x8192xf32>
      %reduce_min3A_233 = arith.constant dense<0x7F800000> : vector<256xf32>
      %reduce_min3A_234 = vector.multi_reduction <minimumf>, %select_n3A_232, %reduce_min3A_233 [1] : vector<256x8192xf32> to vector<256xf32>
      %broadcast_in_dim3A_235 = vector.shape_cast %reduce_min3A_234 : vector<256xf32> to vector<256x1xf32>
      %mul3A_236 = arith.constant 8 : i32
      %mul3A_237 = arith.muli %mul3A_236, %scan3A_50 : i32
      %add3A_238 = arith.constant 6 : i32
      %add3A_239 = arith.addi %mul3A_237, %add3A_238 : i32
      %eq3A_240 = vector.broadcast %add3A_239 : i32 to vector<256x32xi32>
      %eq3A_241 = arith.cmpi eq, %iota3A_34, %eq3A_240 : vector<256x32xi32>
      %convert_element_type3A_242 = arith.fptosi %broadcast_in_dim3A_227 : vector<256x1xf32> to vector<256x1xi32>
      %jit3A_243 = arith.constant 0 : i32
      %broadcast_in_dim3A_244 = vector.shape_cast %convert_element_type3A_242 : vector<256x1xi32> to vector<256x1xi32>
      %broadcast_in_dim3A_245 = vector.broadcast %broadcast_in_dim3A_244 : vector<256x1xi32> to vector<256x32xi32>
      %broadcast_in_dim3A_246 = vector.broadcast %jit3A_243 : i32 to vector<256x32xi32>
      %select_n3A_247 = arith.select %eq3A_241, %broadcast_in_dim3A_245, %broadcast_in_dim3A_246 : vector<256x32xi1>, vector<256x32xi32>
      %add3A_248 = arith.addi %add3A_220, %select_n3A_247 : vector<256x32xi32>
      %eq3A_249 = vector.broadcast %broadcast_in_dim3A_235 : vector<256x1xf32> to vector<256x8192xf32>
      %eq3A_250 = arith.cmpf oeq, %select_n3A_232, %eq3A_249 : vector<256x8192xf32>
      %broadcast_in_dim3A_251 = vector.broadcast %scan3A : f32 to vector<256x8192xf32>
      %select_n3A_252 = arith.select %eq3A_250, %convert_element_type3A, %broadcast_in_dim3A_251 : vector<256x8192xi1>, vector<256x8192xf32>
      %reduce_min3A_253 = arith.constant dense<0x7F800000> : vector<256xf32>
      %reduce_min3A_254 = vector.multi_reduction <minimumf>, %select_n3A_252, %reduce_min3A_253 [1] : vector<256x8192xf32> to vector<256xf32>
      %broadcast_in_dim3A_255 = vector.shape_cast %reduce_min3A_254 : vector<256xf32> to vector<256x1xf32>
      %eq3A_256 = vector.broadcast %broadcast_in_dim3A_255 : vector<256x1xf32> to vector<256x8192xf32>
      %eq3A_257 = arith.cmpf oeq, %convert_element_type3A, %eq3A_256 : vector<256x8192xf32>
      %jit3A_258 = arith.constant 0x7F800000 : f32
      %broadcast_in_dim3A_259 = vector.broadcast %jit3A_258 : f32 to vector<256x8192xf32>
      %select_n3A_260 = arith.select %eq3A_257, %broadcast_in_dim3A_259, %select_n3A_232 : vector<256x8192xi1>, vector<256x8192xf32>
      %reduce_min3A_261 = arith.constant dense<0x7F800000> : vector<256xf32>
      %reduce_min3A_262 = vector.multi_reduction <minimumf>, %select_n3A_260, %reduce_min3A_261 [1] : vector<256x8192xf32> to vector<256xf32>
      %broadcast_in_dim3A_263 = vector.shape_cast %reduce_min3A_262 : vector<256xf32> to vector<256x1xf32>
      %mul3A_264 = arith.constant 8 : i32
      %mul3A_265 = arith.muli %mul3A_264, %scan3A_50 : i32
      %add3A_266 = arith.constant 7 : i32
      %add3A_267 = arith.addi %mul3A_265, %add3A_266 : i32
      %eq3A_268 = vector.broadcast %add3A_267 : i32 to vector<256x32xi32>
      %eq3A_269 = arith.cmpi eq, %iota3A_34, %eq3A_268 : vector<256x32xi32>
      %convert_element_type3A_270 = arith.fptosi %broadcast_in_dim3A_255 : vector<256x1xf32> to vector<256x1xi32>
      %jit3A_271 = arith.constant 0 : i32
      %broadcast_in_dim3A_272 = vector.shape_cast %convert_element_type3A_270 : vector<256x1xi32> to vector<256x1xi32>
      %broadcast_in_dim3A_273 = vector.broadcast %broadcast_in_dim3A_272 : vector<256x1xi32> to vector<256x32xi32>
      %broadcast_in_dim3A_274 = vector.broadcast %jit3A_271 : i32 to vector<256x32xi32>
      %select_n3A_275 = arith.select %eq3A_269, %broadcast_in_dim3A_273, %broadcast_in_dim3A_274 : vector<256x32xi1>, vector<256x32xi32>
      %add3A_276 = arith.addi %add3A_248, %select_n3A_275 : vector<256x32xi32>
      %swap3A_277 = arith.constant 0 : index
      %swap3A_278 = arith.constant 0 : index
      %swap3A_279 = vector.load %arg7[%swap3A_277, %swap3A_278] : memref<256x8192xf32, #tpu.memory_space<vmem>>, vector<256x8192xf32>
      tpu.vector_store %arg7[%swap3A_277, %swap3A_278], %select_n3A_260 {strides = array<i32>} : memref<256x8192xf32, #tpu.memory_space<vmem>>, vector<256x8192xf32>,
      scf.yield %add3A_276, %broadcast_in_dim3A_263 : vector<256x32xi32>, vector<256x1xf32>
    }
    %scan3A_43 = arith.constant 4 : i32
    %swap3A_44 = arith.constant 0 : index
    %swap3A_45 = arith.constant 0 : index
    %swap3A_46 = arith.constant 0 : index
    %swap3A_47 = vector.load %arg6[%swap3A_44, %swap3A_45, %swap3A_46] : memref<1x256x32xi32, #tpu.memory_space<vmem>>, vector<1x256x32xi32>
    %swap3A_48 = vector.shape_cast %swap3A_47 : vector<1x256x32xi32> to vector<256x32xi32>
    %swap3A_49 = vector.shape_cast %scan3A_42#0 : vector<256x32xi32> to vector<1x256x32xi32>
    tpu.vector_store %arg6[%swap3A_44, %swap3A_45, %swap3A_46], %swap3A_49 {strides = array<i32>} : memref<1x256x32xi32, #tpu.memory_space<vmem>>, vector<1x256x32xi32>,
    return
  }
  func.func @transform_0(%arg0: i32, %arg1: i32) -> (i32, i32, i32) {
    %c0_i32 = arith.constant 0 : i32
    %c0_i32_0 = arith.constant 0 : i32
    %c0_i32_1 = arith.constant 0 : i32
    return %arg0, %c0_i32, %c0_i32_0 : i32, i32, i32
  }
  func.func @transform_1(%arg0: i32, %arg1: i32) -> (i32, i32, i32) {
    %c0_i32 = arith.constant 0 : i32
    %c0_i32_0 = arith.constant 0 : i32
    %c0_i32_1 = arith.constant 0 : i32
    return %arg0, %c0_i32, %c0_i32_0 : i32, i32, i32
  }
  func.func @transform_2(%arg0: i32, %arg1: i32) -> (i32, i32, i32) {
    %c0_i32 = arith.constant 0 : i32
    %c0_i32_0 = arith.constant 0 : i32
    %c0_i32_1 = arith.constant 0 : i32
    return %arg0, %c0_i32, %c0_i32_0 : i32, i32, i32
  }
  func.func @transform_3(%arg0: i32, %arg1: i32) -> (i32, i32, i32) {
    %c0_i32 = arith.constant 0 : i32
    %c0_i32_0 = arith.constant 0 : i32
    return %arg0, %arg1, %c0_i32 : i32, i32, i32
  }
  func.func @transform_4(%arg0: i32, %arg1: i32) -> (i32, i32, i32) {
    %c0_i32 = arith.constant 0 : i32
    %c0_i32_0 = arith.constant 0 : i32
    return %arg0, %arg1, %c0_i32 : i32, i32, i32
  }
}

</mosaic_0001>

<sc_bundles>
// kernel: kernel.5.cloned.1.call-start
scs
__scs_entry_jumppad:
0x0: {  	(pc) =	sbr.rel $0x88, $3  }
0x1: {  	(tag) =	ssettag $0x0;
	lr =	simm.s32 $0x1  }
0x2: {  	[smem:$0x3FA0] =	sst lr;
	_ =	strace $0xD0000000  }
0x3: {  	_ = 	snop  }
0x4: {  	_ = 	snop  }
0x5: {  	_ = 	snop  }
0x6: {  	_ = 	snop  }
0x7: {  	_ = 	snop  }
__scs_overlays_trampoline_lowered:
0x8: {  	[smem:$0x3FAF] =	sst s0  }
0x9: {  	[smem:$0x3FB0] =	sst s1  }
0xa: {  	[smem:$0x3FB1] =	sst s2  }
0xb: {  	[smem:$0x3FB2] =	sst s3  }
0xc: {  	[smem:$0x3FB3] =	sst s4  }
0xd: {  	[smem:$0x3FB4] =	sst s5  }
0xe: {  	[smem:$0x3FB5] =	sst s6  }
0xf: {  	[smem:$0x3FB6] =	sst s7  }
0x10: {  	[smem:$0x3FB7] =	sst s8  }
0x11: {  	[smem:$0x3FB8] =	sst s9;
	s0 =	simm.s32 @!p0 $0x0  }
0x12: {  	s1 =	sld [smem:$0x3F9E];
	s0 =	simm.s32 @p0 $0x1  }
0x13: {  	[smem:$0x3FB9] =	sst s0;
	s0 =	simm.s32 @!p1 $0x0  }
0x14: {  	s2 =	sld [smem:$0x3F9D];
	s0 =	simm.s32 @p1 $0x1  }
0x15: {  	[smem:$0x3FBA] =	sst s0;
	s0 =	simm.s32 @!p2 $0x0  }
0x16: {  	s3 =	sld [smem:$0x3FDB];
	s0 =	simm.s32 @p2 $0x1  }
0x17: {  	s4 =	simm.s32 $0x1BF5;
	[smem:$0x3FBC] =	sst s0  }
0x18: {  	s0 =	sld [smem:$0x3F9F];
	_ =	swait.ge [sflag:s4], $0x0  }
0x19: {  	s7 =	sld [smem:$0x3FA0]  }
0x1a: {  	s8 =	sadd.s32 $0xFFFFE003, lr  }
0x1b: {  	s9 =	sadd.s32 $0xFFFFFEF7, lr;
	s5 =	simm.s32 $0xFFFFFFFF;
	p2 =	slt.u32 s8, $0xFFFFF086  }
0x1c: {  	p1 =	slt.u32 s9, $0xF7A;
	s5 =	simm.s32 @!p2 $0x0  }
0x1d: {  	s5 =	simm.s32 @p1 $0x1;
	p0 =	seq.s32 s7, s2  }
0x1e: {  	s7 =	smul.u32 @!p0 $0xF7A, s2;
	p2 =	seq.s32 @!p0 s5, $0x0  }
0x1f: {  	s9 =	smul.u32 $0xF7A, s1;
	s8 =	simm.s32 @!p0 $0x1BF5;
	p2 =	por !p2, p0  }
0x20: {  	[sflag:s8] =	ssyncset.s32 @!p0 $0xFFFFF086;
	s6 =	sadd.s32 @!p0 s3, s7;
	s7 =	simm.s32 @!p0 $0x108  }
0x21: {  	s3 =	sadd.s32 s3, s9;
	s6 =	sadd.s32 @!p0 $0x88, s6;
	s7 =	simm.s32 @p2 $0x1082  }
0x22: {  	[simem:s7], [sflag:s8] =	dma.local @!p0 [hbm:s6], $0xF7A  }
0x23: {  	s9 =	sor.u32 $0xD0000000, s2;
	s6 =	simm.s32 $0x108;
	_ =	swait.ge @!p0 [sflag:s8], $0x0  }
0x24: {  	s3 =	sadd.s32 $0x88, s3;
	s6 =	simm.s32 @!p1 $0x1082;
	[sflag:s4] =	ssyncset.s32 $0xFFFFF086  }
0x25: {  	[simem:s6], [sflag:s4] =	dma.local [hbm:s3], $0xF7A  }
0x26: {  	[smem:$0x3FA0] =	sst s1;
	(tag) =	ssettag s2;
	_ =	strace s9  }
0x27: {  	s1 =	sld [smem:$0x3FB0]  }
0x28: {  	s2 =	sld [smem:$0x3FB1]  }
0x29: {  	s4 =	sld [smem:$0x3FB3]  }
0x2a: {  	p0 =	seq.s32 s5, $0x0;
	s5 =	sld [smem:$0x3FB4]  }
0x2b: {  	s6 =	sld [smem:$0x3FB5]  }
0x2c: {  	s7 =	sld [smem:$0x3FB6]  }
0x2d: {  	s3 =	simm.s32 $0x108;
	s8 =	sld [smem:$0x3FB7]  }
0x2e: {  	s3 =	simm.s32 @!p0 $0x1082;
	s9 =	sld [smem:$0x3FB8]  }
0x2f: {  	lr =	sadd.s32 s0, s3;
	s0 =	sld [smem:$0x3FAF]  }
0x30: {  	s3 =	sld [smem:$0x3FB2]  }
0x31: {  	[smem:$0x3FBB] =	sst s10  }
0x32: {  	s10 =	sld [smem:$0x3FB9];
	_ =	sdelay $0x3  }
0x33: {  	p0 =	seq.s32 s10, $0x1;
	s10 =	sld [smem:$0x3FBB];
	_ =	sdelay $0x3  }
0x34: {  	[smem:$0x3FBB] =	sst s10  }
0x35: {  	s10 =	sld [smem:$0x3FBA];
	_ =	sdelay $0x3  }
0x36: {  	p1 =	seq.s32 s10, $0x1;
	s10 =	sld [smem:$0x3FBB];
	_ =	sdelay $0x3  }
0x37: {  	[smem:$0x3FBB] =	sst s10  }
0x38: {  	s10 =	sld [smem:$0x3FBC]  }
0x39: {  	_ = 	snop;
	(pc) =	sbr.ind lr, $3  }
0x3a: {  	_ = 	snop  }
0x3b: {  	_ = 	snop  }
0x3c: {  	p2 =	seq.s32 s10, $0x1;
	s10 =	sld [smem:$0x3FBB]  }
0x3d: {  	_ =	shalt  }
0x3e: {  	_ =	shalt  }
0x3f: {  	_ =	shalt  }
0x40: {  	_ =	shalt  }
0x41: {  	_ =	shalt  }
0x42: {  	_ =	shalt  }
0x43: {  	_ =	shalt  }
0x44: {  	_ =	shalt  }
0x45: {  	_ =	shalt  }
0x46: {  	_ =	shalt  }
0x47: {  	_ =	shalt  }
0x48: {  	_ =	shalt  }
0x49: {  	_ =	shalt  }
0x4a: {  	_ =	shalt  }
0x4b: {  	_ =	shalt  }
0x4c: {  	_ =	shalt  }
0x4d: {  	_ =	shalt  }
0x4e: {  	_ =	shalt  }
0x4f: {  	_ =	shalt  }
0x50: {  	_ =	shalt  }
0x51: {  	_ =	shalt  }
0x52: {  	_ =	shalt  }
0x53: {  	_ =	shalt  }
0x54: {  	_ =	shalt  }
0x55: {  	_ =	shalt  }
0x56: {  	_ =	shalt  }
0x57: {  	_ =	shalt  }
0x58: {  	_ =	shalt  }
0x59: {  	_ =	shalt  }
0x5a: {  	_ =	shalt  }
0x5b: {  	_ =	shalt  }
0x5c: {  	_ =	shalt  }
0x5d: {  	_ =	shalt  }
0x5e: {  	_ =	shalt  }
0x5f: {  	_ =	shalt  }
0x60: {  	_ =	shalt  }
0x61: {  	_ =	shalt  }
0x62: {  	_ =	shalt  }
0x63: {  	_ =	shalt  }
0x64: {  	_ =	shalt  }
0x65: {  	_ =	shalt  }
0x66: {  	_ =	shalt  }
0x67: {  	_ =	shalt  }
0x68: {  	_ =	shalt  }
0x69: {  	_ =	shalt  }
0x6a: {  	_ =	shalt  }
0x6b: {  	_ =	shalt  }
0x6c: {  	_ =	shalt  }
0x6d: {  	_ =	shalt  }
0x6e: {  	_ =	shalt  }
0x6f: {  	_ =	shalt  }
0x70: {  	_ =	shalt  }
0x71: {  	_ =	shalt  }
0x72: {  	_ =	shalt  }
0x73: {  	_ =	shalt  }
0x74: {  	_ =	shalt  }
0x75: {  	_ =	shalt  }
0x76: {  	_ =	shalt  }
0x77: {  	_ =	shalt  }
0x78: {  	_ =	shalt  }
0x79: {  	_ =	shalt  }
0x7a: {  	_ =	shalt  }
0x7b: {  	_ =	shalt  }
0x7c: {  	_ =	shalt  }
0x7d: {  	_ =	shalt  }
0x7e: {  	_ =	shalt  }
0x7f: {  	_ =	shalt  }
0x80: {  	_ =	shalt  }
0x81: {  	_ =	shalt  }
0x82: {  	_ =	shalt  }
0x83: {  	_ =	shalt  }
0x84: {  	_ =	shalt  }
0x85: {  	_ =	shalt  }
0x86: {  	_ =	shalt  }
0x87: {  	_ =	shalt  }
.Lfunc_end0:
.L_simem_size_0:
called_computation_lowered:
.L_overlay_start_0:
0x88: {  	s2 =	sld [smem:$0x3FD9]  }
0x89: {  	s3 =	sld [smem:$0x3FFE];
	_ =	sdelay $0x1  }
0x8a: {  	s1 =	srdreg.scid  }
0x8b: {  	s0 =	sand.u32 $0x1, s1  }
0x8c: {  	s14 =	sshll.u32 s0, $0xA;
	s2 =	sadd.s32 s3, s2  }
0x8d: {  	s2 =	sadd.s32 s2, s14  }
0x8e: {  	[smem:$0x3FC7] =	sst s2  }
0x8f: {  	_ = 	snop  }
0x90: {  	s2 =	sld [smem:$0x3FD0];
	_ =	sdelay $0x2  }
0x91: {  	s15 =	simm.s32 $0xA;
	s4 =	simm.s32 $0x10  }
0x92: {  	[smem:s4], [sflag:s15] =	dma.local [hbm:s2], $0x1  }
0x93: {  	_ =	swait.eq [sflag:s15], $0x1  }
0x94: {  	[sflag:s15] =	ssyncset.done $0x0  }
0x95: {  	[sflag:s15] =	ssyncadd.s32 $0xFFFFFFFF  }
0x96: {  	s16 =	sld [smem:$0x10];
	(tm) =	ssettm $0x1  }
0x97: {  	s17 =	sld [smem:$0x3FFB];
	_ =	sdelay $0x3  }
0x98: {  	_ =	strace s17  }
0x99: {  	s3 =	sld [smem:$0x3FFC];
	_ =	sdelay $0x3  }
0x9a: {  	_ =	strace s3  }
0x9b: {  	s3 =	sld [smem:$0x3FFD];
	_ =	sdelay $0x3  }
0x9c: {  	_ =	strace s3  }
0x9d: {  	_ =	strace $0x8FFFFFFF  }
0x9e: {  	s18 =	sld [smem:$0x3FDB];
	_ =	sdelay $0x1  }
0x9f: {  	s19 =	simm.s32 $_scs_section_size  }
0xa0: {  	s5 =	simm.s32 $_size__tile_overlayer_lowered;
	s6 =	simm.s32 $_tile_overlayer_lowered  }
0xa1: {  	s22 =	simm.s32 $0x1BFF;
	s21 =	sshll.u32 s6, $0x1;
	s3 =	sadd.s32 s19, s18  }
0xa2: {  	s7 =	simm.s32 $0x0;
	s20 =	sshll.u32 s5, $0x1;
	s5 =	sadd.s32 s21, s3  }
0xa3: {  	[timem:s7], [sflag:s22] =	dma.local [hbm:s5], s20  }
0xa4: {  	_ =	swait.ge [sflag:s22], s20  }
0xa5: {  	s4 =	ssub.s32 $0x0, s20;
	[sflag:s22] =	ssyncset.done $0x0  }
0xa6: {  	[sflag:s22] =	ssyncadd.s32 s4;
	_ =	sdelay $0x1  }
0xa7: {  	s23 =	simm.s32 $0x1B8B  }
0xa8: {  	_ =	swait.ge [sflag:s23], $0x1  }
0xa9: {  	[sflag:s23] =	ssyncset.done $0x0  }
0xaa: {  	s25 =	simm.s32 $0x1B8E;
	s24 =	sld [smem:$0x3FFE];
	[sflag:s23] =	ssyncadd.s32 $0xFFFFFFFF  }
0xab: {  	s26 =	simm.s32 $execute0_lowered;
	[smem:$0x3FD2] =	sst s25  }
0xac: {  	s5 =	sshll.u32 s26, $0x1;
	_ =	strace $0x80000046;
	[dreg:$0x1] =	wrdreg $0xFFFFFFFF  }
0xad: {  	s28 =	simm.s32 $_size_execute0_lowered;
	s3 =	sadd.s32 s3, s5;
	[dreg:$0x0] =	wrdreg $0x0  }
0xae: {  	s5 =	sshll.u32 s28, $0x1;
	[dreg:$0x2] =	wrdreg s3  }
0xaf: {  	[dreg:$0x3] =	wrdreg s5  }
0xb0: {  	[dreg:$0x4] =	wrdreg $0xC0  }
0xb1: {  	_ =	task [dreg:s7], $0x5FFFF  }
0xb2: {  	[dreg:$0x1] =	wrdreg $0xFFFFFFFF  }
0xb3: {  	[dreg:$0x0] =	wrdreg $0x60  }
0xb4: {  	[dreg:$0x2] =	wrdreg s16  }
0xb5: {  	[dreg:$0x3] =	wrdreg s24  }
0xb6: {  	[dreg:$0x4] =	wrdreg $0x9  }
0xb7: {  	_ =	task.clear_ibuf [dreg:s7], $0x5FFFF;
	_ =	strace $0x90000046  }
0xb8: {  	s29 =	simm.s32 $0x9;
	_ =	strace $0x80000048  }
0xb9: {  	_ =	swait.ge [sflag:s29], $0x1  }
0xba: {  	[sflag:s29] =	ssyncadd.s32 $0xFFFFFFFF  }
0xbb: {  	_ =	strace $0x90000048  }
0xbc: {  	_ =	sfence  }
0xbd: {  	s30 =	sld [smem:$0x0];
	_ =	sdelay $0x2  }
0xbe: {  	s31 =	sshll.u32 s1, $0xD;
	s1 =	sshrl.u32 s1, $0x2  }
0xbf: {  	s3 =	sand.u32 $0x4000, s31;
	s1 =	sadd.s32 s1, s30  }
0xc0: {  	s0 =	sor.u32 s3, s0;
	s1 =	sshll.u32 s1, $0x11  }
0xc1: {  	s0 =	sor.u32 s1, s0  }
0xc2: {  	s0 =	sadd.s32 $0x8F2B, s0  }
0xc3: {  	[sflag:s0] =	ssyncadd.remote.s32 $0x1  }
0xc4: {  	_ =	sfence.sel $0xFFFF  }
0xc5: {  	[dreg:$0x0] =	wrdreg $0xFFFFFFFF;
	(pc) =	sbr.abs _section_cstart, $3  }
0xc6: {  	[dreg:$0x1] =	wrdreg $0xFFFFFFFF  }
0xc7: {  	_ =	task.clear_ibuf [dreg:s7], $0x2FFFF;
	_ =	strace $0x9FFFFFFF  }
0xc8: {  	(tm) =	ssettm $0x7FFFFFFF  }
0xc9: {  	_ =	shalt  }
tec
execute0_lowered:
.L_overlay_start_1:
0x0: {  	(tag) =	ssettag $0x1  }
0x1: {  	s4 =	rddreg [dreg:$0x0]  }
0x2: {  	s5 =	rddreg [dreg:$0x1]  }
0x3: {  	s0 =	rddreg [dreg:$0x2];
	s2 =	simm.s32 $0x0;
	s3 =	srdreg.scid  }
0x4: {  	s1 =	stileid.u32;
	s11 =	simm.s32 $0x11000;
	s12 =	simm.s32 $0x0  }
0x5: {  	[smem:$0x7FF] =	sst s2;
	s6 =	sand.u32 $0x1, s3;
	s30 =	sshll.u32 s1, $0x1  }
0x6: {  	s3 =	sadd.s32 $0xE00, s5;
	_ =	strace $0x80000047;
	s7 =	sor.u32 s6, s30  }
0x7: {  	s6 =	ssub.s32 $0x2, s6;
	s8 =	sshll.u32 s7, $0x8;
	s9 =	sshll.u32 s7, $0xD  }
0x8: {  	s10 =	sshrl.u32 s6, $0x1;
	s31 =	sshll.u32 s7, $0x9;
	s8 =	sadd.s32 s8, s5  }
0x9: {  	s9 =	sadd.s32 s9, s5;
	s10 =	ssub.s32 s6, s10;
	s4 =	sadd.s32 s4, s31  }
0xa: {  	s5 =	sadd.s32 $0x100E00, s8;
	s6 =	sadd.s32 $0x20E00, s9;
	s7 =	smax.u32 s10, $0x1  }
0xb: {  	s8 =	simm.s32 $0x2;
	s9 =	simm.s32 $0x1000;
	s10 =	simm.s32 $0x1  }
.LBB2_1:
0xc: {  	[tilespmem:s2], [sflag:$0x2] =	stream.linear.gather [hbm4b:s4+s2], $0x1000, $0x38;
	[tilespmem:$0x11800] =	vst v63  }
0xd: {  	_ =	swait.ge [sflag:s8], $0x1000  }
0xe: {  	[sflag:s8] =	ssyncset.done $0x0  }
0xf: {  	[sflag:s8] =	ssyncadd.s32 $0xFFFFF000  }
0x10: {  	[tilespmem:s9], [sflag:$0x1] =	stream.indirect.gather [hbm4b:s3+s9], $0x10, s2, s9, $0xb8;
	[tilespmem:$0x11800] =	vst v63  }
0x11: {  	_ =	swait.ge [sflag:s10], $0x10000  }
0x12: {  	[sflag:s10] =	ssyncset.done $0x0  }
0x13: {  	[sflag:s10] =	ssyncadd.s32 $0xFFFF0000  }
0x14: {  	[tilespmem:s11], [sflag:$0x2] =	stream.linear.gather [hbm4b:s5+s2], $0x800, $0x38;
	[tilespmem:$0x11800] =	vst v63  }
0x15: {  	_ =	swait.ge [sflag:s8], $0x800  }
0x16: {  	[sflag:s8] =	ssyncset.done $0x0  }
0x17: {  	s13 =	simm.s32 $0x1100;
	[sflag:s8] =	ssyncadd.s32 $0xFFFFF800  }
0x18: {  	v2 =	vld [tilespmem:s13+$0x70]  }
0x19: {  	v0 =	vld [tilespmem:s13+$0xFFFFFFF0]  }
0x1a: {  	v10 =	vld [tilespmem:s13+$0x90]  }
0x1b: {  	v17 =	vld [tilespmem:s13+$0xF0]  }
0x1c: {  	v6 =	vld [tilespmem:s13+$0x60]  }
0x1d: {  	v11 =	vld [tilespmem:s13+$0xA0]  }
0x1e: {  	v13 =	vld [tilespmem:s13+$0xB0]  }
0x1f: {  	v22 =	vld [tilespmem:s13+$0xD0]  }
0x20: {  	v14 =	vld [tilespmem:s13+$0xFFFFFF00]  }
0x21: {  	v1 =	vld [tilespmem:s13+$0x50]  }
0x22: {  	v8 =	vld [tilespmem:s13+$0x80]  }
0x23: {  	v5 =	vld [tilespmem:s13+$0xFFFFFF80]  }
0x24: {  	v15 =	vld [tilespmem:s13+$0xE0]  }
0x25: {  	v12 =	vld [tilespmem:s13+$0xFFFFFF70]  }
0x26: {  	v9 =	vld [tilespmem:s13+$0xFFFFFFC0]  }
0x27: {  	v4 =	vld [tilespmem:s13+$0x40]  }
0x28: {  	s14 =	simm.s32 $0x0;
	v7 =	vld [tilespmem:s13+$0xFFFFFFE0]  }
0x29: {  	v3 =	vld [tilespmem:s14+$0x11000]  }
0x2a: {  	v19 =	vld [tilespmem:s13+$0xFFFFFF20]  }
0x2b: {  	v20 =	vld [tilespmem:s13+$0xFFFFFF10]  }
0x2c: {  	v16 =	vld [tilespmem:s13+$0xFFFFFF30]  }
0x2d: {  	v18 =	vld [tilespmem:s13+$0xC0]  }
0x2e: {  	v21 =	vsub.f32 v14, v3;
	v14 =	vld [tilespmem:s13+$0xFFFFFF40];
	v23 =	vsub.f32 v17, v3  }
0x2f: {  	s15 =	simm.s32 $0x1100;
	s14 =	simm.s32 $0x40;
	v17 =	vsub.f32 v19, v3;
	v19 =	vld [tilespmem:s13+$0xFFFFFF60];
	v22 =	vsub.f32 v22, v3  }
.LBB2_2:
0x30: {  	p0 =	sne.s32 s14, $0x1FC0  }
0x31: {  	v20 =	vsub.f32 v20, v3;
	v24 =	vld [tilespmem:s13+$0xFFFFFFD0];
	v13 =	vsub.f32 v13, v3;
	[tilespmem:s13+$0xF0] =	vst v23;
	s15 =	sadd.s32 $0x200, s15;
	s16 =	smov.u32 s14;
	s14 =	sadd.s32 $0x40, s14  }
0x32: {  	v15 =	vsub.f32 v15, v3;
	[tilespmem:s13+$0xFFFFFF00] =	vst v21;
	v16 =	vsub.f32 v16, v3;
	v21 =	vld [tilespmem:s13+$0xFFFFFFA0]  }
0x33: {  	v10 =	vsub.f32 v10, v3;
	v23 =	vld [tilespmem:s13+$0xFFFFFF50];
	v18 =	vsub.f32 v18, v3;
	[tilespmem:s13+$0xD0] =	vst v22  }
0x34: {  	v11 =	vsub.f32 v11, v3;
	v14 =	vsub.f32 v14, v3;
	v22 =	vld [tilespmem:s13+$0xFFFFFF90];
	[tilespmem:s13+$0xB0] =	vst v13  }
0x35: {  	v12 =	vsub.f32 v12, v3;
	v13 =	vsub.f32 v19, v3;
	v19 =	vld [tilespmem:s13+$0x0];
	[tilespmem:s13+$0x90] =	vst v10  }
0x36: {  	v5 =	vsub.f32 v5, v3;
	v2 =	vsub.f32 v2, v3;
	v10 =	vld [tilespmem:s13+$0x20];
	[tilespmem:s13+$0xE0] =	vst v15  }
0x37: {  	v6 =	vsub.f32 v6, v3;
	v21 =	vsub.f32 v21, v3;
	v15 =	vld [tilespmem:s13+$0x10];
	[tilespmem:s13+$0xA0] =	vst v11  }
0x38: {  	v8 =	vsub.f32 v8, v3;
	[tilespmem:s13+$0xFFFFFF20] =	vst v17;
	v17 =	vsub.f32 v23, v3;
	v11 =	vld [tilespmem:s13+$0x30]  }
0x39: {  	v9 =	vsub.f32 v9, v3;
	v22 =	vsub.f32 v22, v3;
	v23 =	vld [tilespmem:s13+$0xFFFFFFB0];
	[tilespmem:s13+$0x70] =	vst v2  }
0x3a: {  	v7 =	vsub.f32 v7, v3;
	v24 =	vsub.f32 v24, v3;
	v2 =	vld [tilespmem:s15+$0x70];
	[tilespmem:s13+$0x60] =	vst v6  }
0x3b: {  	v19 =	vsub.f32 v19, v3;
	[tilespmem:s13+$0xFFFFFF70] =	vst v12;
	v12 =	vsub.f32 v0, v3  }
0x3c: {  	v26 =	vsub.f32 v10, v3;
	v25 =	vsub.f32 v15, v3;
	[tilespmem:s13+$0x80] =	vst v8  }
0x3d: {  	v4 =	vsub.f32 v4, v3;
	[tilespmem:s13+$0xFFFFFF10] =	vst v20;
	v8 =	vsub.f32 v11, v3  }
0x3e: {  	v1 =	vsub.f32 v1, v3;
	v15 =	vsub.f32 v23, v3;
	[tilespmem:s13+$0xC0] =	vst v18  }
0x3f: {  	[tilespmem:s13+$0xFFFFFF60] =	vst v13  }
0x40: {  	[tilespmem:s13+$0xFFFFFFC0] =	vst v9  }
0x41: {  	v0 =	vld [tilespmem:s15+$0xFFFFFFF0];
	[tilespmem:s13+$0xFFFFFF30] =	vst v16  }
0x42: {  	v10 =	vld [tilespmem:s15+$0x90];
	[tilespmem:s13+$0x50] =	vst v1  }
0x43: {  	v23 =	vld [tilespmem:s15+$0xF0];
	[tilespmem:s13+$0xFFFFFFE0] =	vst v7  }
0x44: {  	v6 =	vld [tilespmem:s15+$0x60];
	[tilespmem:s13+$0xFFFFFF40] =	vst v14  }
0x45: {  	v11 =	vld [tilespmem:s15+$0xA0];
	[tilespmem:s13+$0x40] =	vst v4  }
0x46: {  	v13 =	vld [tilespmem:s15+$0xB0];
	[tilespmem:s13+$0xFFFFFFD0] =	vst v24  }
0x47: {  	v24 =	vld [tilespmem:s15+$0xD0];
	[tilespmem:s13+$0x30] =	vst v8  }
0x48: {  	v14 =	vld [tilespmem:s15+$0xFFFFFF00];
	[tilespmem:s13+$0xFFFFFF50] =	vst v17  }
0x49: {  	v1 =	vld [tilespmem:s15+$0x50];
	[tilespmem:s13+$0xFFFFFFB0] =	vst v15  }
0x4a: {  	v8 =	vld [tilespmem:s15+$0x80];
	[tilespmem:s13+$0xFFFFFF80] =	vst v5  }
0x4b: {  	v5 =	vld [tilespmem:s15+$0xFFFFFF80];
	[tilespmem:s13+$0x0] =	vst v19  }
0x4c: {  	v15 =	vld [tilespmem:s15+$0xE0];
	[tilespmem:s13+$0xFFFFFFF0] =	vst v12  }
0x4d: {  	v12 =	vld [tilespmem:s15+$0xFFFFFF70];
	[tilespmem:s13+$0x20] =	vst v26  }
0x4e: {  	v9 =	vld [tilespmem:s15+$0xFFFFFFC0];
	[tilespmem:s13+$0xFFFFFFA0] =	vst v21  }
0x4f: {  	v4 =	vld [tilespmem:s15+$0x40];
	[tilespmem:s13+$0xFFFFFF90] =	vst v22  }
0x50: {  	s16 =	sshra.s32 s16, $0x2;
	v7 =	vld [tilespmem:s15+$0xFFFFFFE0];
	[tilespmem:s13+$0x10] =	vst v25;
	s13 =	smov.u32 s15  }
0x51: {  	v3 =	vld [tilespmem:s16+$0x11000]  }
0x52: {  	v17 =	vld [tilespmem:s15+$0xFFFFFF20]  }
.Ltmp0:
0x53: {  	v20 =	vld [tilespmem:s15+$0xFFFFFF10];
	(pc) =	sbr.rel @p0 .LBB2_2-.Ltmp0, $4  }
0x54: {  	v16 =	vld [tilespmem:s15+$0xFFFFFF30]  }
0x55: {  	v18 =	vld [tilespmem:s15+$0xC0]  }
0x56: {  	v21 =	vsub.f32 v14, v3;
	v14 =	vld [tilespmem:s15+$0xFFFFFF40];
	v23 =	vsub.f32 v23, v3  }
0x57: {  	v22 =	vsub.f32 v24, v3;
	v17 =	vsub.f32 v17, v3;
	v19 =	vld [tilespmem:s15+$0xFFFFFF60]  }
0x58: {  	[tilespmem:s13+$0xF0] =	vst v23  }
0x59: {  	[tilespmem:s13+$0xFFFFFF00] =	vst v21  }
0x5a: {  	v13 =	vsub.f32 v13, v3;
	[tilespmem:s13+$0xD0] =	vst v22  }
0x5b: {  	v10 =	vsub.f32 v10, v3;
	[tilespmem:s13+$0xFFFFFF20] =	vst v17  }
0x5c: {  	v15 =	vsub.f32 v15, v3;
	[tilespmem:s13+$0xB0] =	vst v13  }
0x5d: {  	v11 =	vsub.f32 v11, v3;
	[tilespmem:s13+$0x90] =	vst v10  }
0x5e: {  	v2 =	vsub.f32 v2, v3;
	[tilespmem:s13+$0xE0] =	vst v15  }
0x5f: {  	v6 =	vsub.f32 v6, v3;
	[tilespmem:s13+$0xA0] =	vst v11  }
0x60: {  	v12 =	vsub.f32 v12, v3;
	[tilespmem:s13+$0x70] =	vst v2  }
0x61: {  	v8 =	vsub.f32 v8, v3;
	[tilespmem:s13+$0x60] =	vst v6  }
0x62: {  	v44 =	vsub.f32 v20, v3;
	[tilespmem:s13+$0xFFFFFF70] =	vst v12  }
0x63: {  	v9 =	vsub.f32 v9, v3;
	[tilespmem:s13+$0x80] =	vst v8  }
0x64: {  	v1 =	vsub.f32 v1, v3;
	[tilespmem:s13+$0xFFFFFF10] =	vst v44  }
0x65: {  	v7 =	vsub.f32 v7, v3;
	[tilespmem:s13+$0xFFFFFFC0] =	vst v9  }
0x66: {  	v54 =	vsub.f32 v4, v3;
	[tilespmem:s13+$0x50] =	vst v1  }
0x67: {  	v5 =	vsub.f32 v5, v3;
	[tilespmem:s13+$0xFFFFFFE0] =	vst v7  }
0x68: {  	v47 =	vld [tilespmem:s13+$0xFFFFFFD0];
	v0 =	vsub.f32 v0, v3;
	[tilespmem:s13+$0x40] =	vst v54  }
0x69: {  	v42 =	vld [tilespmem:s13+$0x30];
	v48 =	vsub.f32 v16, v3;
	[tilespmem:s13+$0xFFFFFF80] =	vst v5  }
0x6a: {  	v40 =	vld [tilespmem:s13+$0xFFFFFF50];
	v45 =	vsub.f32 v18, v3;
	[tilespmem:s13+$0xFFFFFFF0] =	vst v0  }
0x6b: {  	v49 =	vld [tilespmem:s13+$0xFFFFFFB0];
	[tilespmem:s13+$0xFFFFFF30] =	vst v48;
	v52 =	vsub.f32 v14, v3  }
0x6c: {  	v50 =	vld [tilespmem:s13+$0x0];
	v46 =	vsub.f32 v19, v3;
	[tilespmem:s13+$0xC0] =	vst v45  }
0x6d: {  	v51 =	vld [tilespmem:s13+$0x20];
	v55 =	vsub.f32 v47, v3;
	[tilespmem:s13+$0xFFFFFF40] =	vst v52  }
0x6e: {  	v41 =	vld [tilespmem:s13+$0xFFFFFFA0];
	v56 =	vsub.f32 v42, v3;
	[tilespmem:s13+$0xFFFFFF60] =	vst v46  }
0x6f: {  	v43 =	vld [tilespmem:s13+$0xFFFFFF90];
	v57 =	vsub.f32 v40, v3;
	[tilespmem:s13+$0xFFFFFFD0] =	vst v55  }
0x70: {  	v53 =	vld [tilespmem:s13+$0x10];
	v58 =	vsub.f32 v49, v3;
	[tilespmem:s13+$0x30] =	vst v56  }
0x71: {  	v59 =	vsub.f32 v50, v3;
	[tilespmem:s13+$0xFFFFFF50] =	vst v57  }
0x72: {  	v60 =	vsub.f32 v51, v3;
	[tilespmem:s13+$0xFFFFFFB0] =	vst v58  }
0x73: {  	v61 =	vsub.f32 v41, v3;
	[tilespmem:s13+$0x0] =	vst v59  }
0x74: {  	v62 =	vsub.f32 v43, v3;
	[tilespmem:s13+$0x20] =	vst v60  }
0x75: {  	s12 =	sadd.s32 $0x1, s12;
	v63 =	vsub.f32 v53, v3;
	[tilespmem:s13+$0xFFFFFFA0] =	vst v61  }
0x76: {  	p0 =	sne.s32 s12, s7;
	[tilespmem:s13+$0xFFFFFF90] =	vst v62  }
.Ltmp1:
0x77: {  	[tilespmem:s13+$0x10] =	vst v63;
	(pc) =	sbr.rel @p0 .LBB2_1-.Ltmp1, $4  }
0x78: {  	[hbm4b:s6+s2] =	stream.linear.scatter [tilespmem:s9], [sflag:$0x2], $0x10000, $0x38;
	[tilespmem:$0x11800] =	vst v63  }
0x79: {  	_ =	swait.ge [sflag:s8], $0x10000  }
0x7a: {  	[sflag:s8] =	ssyncset.done $0x0  }
0x7b: {  	[sflag:s8] =	ssyncadd.s32 $0xFFFF0000  }
0x7c: {  	_ =	sfence.sel $0x180000  }
0x7d: {  	[bflag:$0x0] =	sbarrier.arrive $0xFFFF  }
0x7e: {  	p0 =	sne.s32 s1, $0x0;
	_ =	strace $0x90000047  }
0x7f: {  	s0 =	sadd.s32 @!p0 $0x100000, s0;
	[bflag:$0x2] =	sbarrier.arrive $0xFFFF  }
0x80: {  	[sflag:s0] =	ssyncadd.tile.s32 @!p0 $0x1;
	_ =	shalt  }
.Lfunc_end2:
_tile_overlayer_lowered:
.L_overlay_start_2:
0x81: {  	(tag) =	ssettag $0x2  }
0x82: {  	s0 =	rddreg [dreg:$0x0];
	s2 =	stileid.u32  }
0x83: {  	s1 =	rddreg [dreg:$0x1];
	p0 =	sne.s32 s2, $0x0  }
0x84: {  	s3 =	rddreg [dreg:$0x2];
	[bflag:$0x3] =	sbarrier.arrive $0xFFFF;
	s2 =	simm.s32 @!p0 $0x1C02  }
0x85: {  	[timem:s3], [sflag:s2] =	dma.local @!p0 [hbm:s0], s1  }
0x86: {  	s0 =	simm.s32 @!p0 $0x2  }
0x87: {  	_ =	swait.ge @!p0 [sflag:s0], s1  }
0x88: {  	s1 =	ssub.s32 @!p0 $0x0, s1;
	[sflag:s0] =	ssyncset.done @!p0 $0x0  }
0x89: {  	[sflag:s0] =	ssyncadd.s32 @!p0 s1  }
0x8a: {  	[bflag:$0x3] =	sbarrier.arrive $0xFFFF  }
0x8b: {  	_ =	shalt  }

</sc_bundles>
